<compile_context>
chip_gen: v7x
topology: tpu7x:2x2x1
jax: 0.10.2.dev20260603
libtpu: 0.0.44.dev20260713+nightly
codegen_flags: <defaults>
</compile_context>

<pallas_src>
import jax
import jax.numpy as jnp
import numpy as np
from jax.experimental import pallas as pl
from jax.experimental.pallas import tpu as pltpu

STRIDE = 16
ANCHOR_SIZE = 128.0
ASPECT_RATIOS = (0.2323283, 0.63365731, 1.28478321, 3.15089189)
IMG_H, IMG_W = 800, 1216
PRE_NMS_TOP_N = 6000
POST_NMS_TOP_N = 1000
OUT_PAD_ROWS = 1152
NMS_THRESH = 0.7
BBOX_XFORM_CLIP = float(np.log(1000.0 / 16.0))
H_FEAT, W_FEAT = 50, 76
A = 4
NPAD = 6144
NROWS = NPAD // 128


def _cell_anchors():
    out = []
    for r in ASPECT_RATIOS:
        w = np.round(np.sqrt(ANCHOR_SIZE * ANCHOR_SIZE / r))
        h = np.round(w * r)
        xc = yc = (STRIDE - 1.0) / 2.0
        out.append([xc - 0.5 * (w - 1), yc - 0.5 * (h - 1), xc + 0.5 * (w - 1), yc + 0.5 * (h - 1)])
    return jnp.asarray(out, dtype=jnp.float32)


def _grid_anchors(H, W):
    base = _cell_anchors()
    sx = jnp.arange(W, dtype=jnp.float32) * STRIDE
    sy = jnp.arange(H, dtype=jnp.float32) * STRIDE
    gy, gx = jnp.meshgrid(sy, sx, indexing='ij')
    shifts = jnp.stack([gx.ravel(), gy.ravel(), gx.ravel(), gy.ravel()], axis=1)
    return (shifts[:, None, :] + base[None, :, :]).reshape(-1, 4)


def _conv_same(x, w, b):
    y = jax.lax.conv_general_dilated(x, w, (1, 1), 'SAME', dimension_numbers=('NCHW', 'OIHW', 'NCHW'))
    return y + b[None, :, None, None]


def _nms_body(s_ref, dx_ref, dy_ref, dw_ref, dh_ref,
              ax1_ref, ay1_ref, ax2_ref, ay2_ref, out_ref,
              sw_ref, x1_ref, y1_ref, x2_ref, y2_ref, ar_ref, sc_ref):
    s0 = s_ref[...]
    ax1 = ax1_ref[...]
    ay1 = ay1_ref[...]
    ax2 = ax2_ref[...]
    ay2 = ay2_ref[...]
    tw = ax2 - ax1 + 1.0
    th = ay2 - ay1 + 1.0
    cx = ax1 + 0.5 * tw
    cy = ay1 + 0.5 * th
    dw = jnp.minimum(dw_ref[...], BBOX_XFORM_CLIP)
    dh = jnp.minimum(dh_ref[...], BBOX_XFORM_CLIP)
    px = dx_ref[...] * tw + cx
    py = dy_ref[...] * th + cy
    pw = jnp.exp(dw) * tw
    ph = jnp.exp(dh) * th
    x1 = jnp.clip(px - 0.5 * pw, 0.0, IMG_W - 1.0)
    y1 = jnp.clip(py - 0.5 * ph, 0.0, IMG_H - 1.0)
    x2 = jnp.clip(px + 0.5 * pw - 1.0, 0.0, IMG_W - 1.0)
    y2 = jnp.clip(py + 0.5 * ph - 1.0, 0.0, IMG_H - 1.0)
    areas = (x2 - x1 + 1.0) * (y2 - y1 + 1.0)
    sw_ref[...] = s0
    x1_ref[...] = x1
    y1_ref[...] = y1
    x2_ref[...] = x2
    y2_ref[...] = y2
    ar_ref[...] = areas
    sc_ref[...] = s0

    lane = jax.lax.broadcasted_iota(jnp.int32, (1, 128), 1)
    neg_inf = jnp.float32(-jnp.inf)

    sub128 = jax.lax.broadcasted_iota(jnp.int32, (128, 128), 0)
    lane_sq = jax.lax.broadcasted_iota(jnp.int32, (128, 128), 1)
    k_lt_e = sub128 < lane_sq
    one_sq = jnp.float32(1.0)

    def row_bcast(ref, c):
        return jnp.broadcast_to(ref[pl.ds(c, 1), :], (128, 128))

    def transpose_sq(sq):
        return jnp.transpose(sq, (1, 0))

    def iou_tile(kx1, ky1, kx2, ky2, kar, c_e):
        nr = kx1.shape[0]

        def rb(ref):
            return jnp.broadcast_to(ref[pl.ds(c_e, 1), :], (nr, 128))

        xx1 = jnp.maximum(kx1, rb(x1_ref))
        yy1 = jnp.maximum(ky1, rb(y1_ref))
        xx2 = jnp.minimum(kx2, rb(x2_ref))
        yy2 = jnp.minimum(ky2, rb(y2_ref))
        inter = jnp.maximum(0.0, xx2 - xx1 + 1.0) * jnp.maximum(0.0, yy2 - yy1 + 1.0)
        return inter / (kar + rb(ar_ref) - inter)

    def counts_of(kept_f, o_tile):
        return jax.lax.dot_general(kept_f, o_tile, (((1,), (0,)), ((), ())),
                                   preferred_element_type=jnp.float32)

    row0 = jnp.where(lane == 0, x1_ref[0, 0],
           jnp.where(lane == 1, y1_ref[0, 0],
           jnp.where(lane == 2, x2_ref[0, 0],
           jnp.where(lane == 3, y2_ref[0, 0],
           jnp.where(lane == 4, sc_ref[0, 0], 0.0)))))
    row0_sq = jnp.broadcast_to(row0, (128, 128))
    for i in range(OUT_PAD_ROWS // 128):
        out_ref[pl.ds(i * 128, 128), :] = row0_sq

    def chunk_body(c, t):
        kx1 = transpose_sq(row_bcast(x1_ref, c))
        ky1 = transpose_sq(row_bcast(y1_ref, c))
        kx2 = transpose_sq(row_bcast(x2_ref, c))
        ky2 = transpose_sq(row_bcast(y2_ref, c))
        kar = transpose_sq(row_bcast(ar_ref, c))
        ksc = transpose_sq(row_bcast(sc_ref, c))

        alive = sw_ref[pl.ds(c, 1), :] > neg_inf
        self_o = jnp.where((iou_tile(kx1, ky1, kx2, ky2, kar, c) > NMS_THRESH) & k_lt_e,
                           1.0, 0.0)

        def fcond(s):
            return s[1]

        def fbody(s):
            kept, _ = s
            cnt = counts_of(kept, self_o)
            new = jnp.where(alive & (cnt == 0.0), 1.0, 0.0)
            return new, jnp.any(new != kept)

        kept, _ = jax.lax.while_loop(
            fcond, fbody, (jnp.where(alive, 1.0, 0.0), True))

        tot = jnp.sum(kept).astype(jnp.int32)
        prefix = counts_of(kept, jnp.where(k_lt_e, 1.0, 0.0))
        prefix_i = prefix.astype(jnp.int32)

        @pl.when(t < POST_NMS_TOP_N)
        def _write():
            onehot = jnp.where((jnp.broadcast_to(prefix_i, (128, 128))
                                == sub128)
                               & (jnp.broadcast_to(kept, (128, 128)) > 0.0), 1.0, 0.0)
            data = jnp.where(lane_sq == 0, kx1,
                   jnp.where(lane_sq == 1, ky1,
                   jnp.where(lane_sq == 2, kx2,
                   jnp.where(lane_sq == 3, ky2,
                   jnp.where(lane_sq == 4, ksc, 0.0)))))
            rows = jax.lax.dot_general(onehot, data, (((1,), (0,)), ((), ())),
                                       precision=jax.lax.Precision.HIGHEST,
                                       preferred_element_type=jnp.float32)
            junk = jax.lax.broadcasted_iota(jnp.int32, (128, 128), 0) >= tot
            rows = rows + jnp.where(junk, jnp.broadcast_to(row0, (128, 128)), 0.0)
            out_ref[pl.ds(t, 128), :] = rows

        def cross(cp, _):
            @pl.when(t < POST_NMS_TOP_N)
            def _():
                o = jnp.where(iou_tile(kx1, ky1, kx2, ky2, kar, cp) > NMS_THRESH,
                              1.0, 0.0)
                cnt = counts_of(kept, o)
                sw_ref[pl.ds(cp, 1), :] = jnp.where(
                    cnt > 0.0, neg_inf, sw_ref[pl.ds(cp, 1), :])
            return 0

        jax.lax.fori_loop(c + 1, NROWS, cross, 0)
        return t + tot

    jax.lax.fori_loop(0, NROWS, chunk_body, 0)


def _heads_body(t_ref, w_ref, b_ref, o_ref):
    h = jax.lax.dot_general(t_ref[...], w_ref[...], (((1,), (0,)), ((), ())),
                            preferred_element_type=jnp.float32) + b_ref[...]
    col = jax.lax.broadcasted_iota(jnp.int32, (3840, 128), 1)
    o_ref[...] = jnp.where(col < A, jax.nn.sigmoid(h), h)


def kernel(features, W_conv, b_conv, W_obj, b_obj, W_reg, b_reg):
    t = jax.nn.relu(_conv_same(features, W_conv, b_conv))
    H, W = H_FEAT, W_FEAT
    t_mat = jnp.pad(jnp.transpose(t[0], (1, 2, 0)).reshape(H * W, 256), ((0, 40), (0, 0)))
    w_heads = jnp.zeros((256, 128), jnp.float32)
    w_heads = w_heads.at[:, :A].set(W_obj[:, :, 0, 0].T)
    w_heads = w_heads.at[:, A:A + 4 * A].set(W_reg[:, :, 0, 0].T)
    b_heads = jnp.zeros((1, 128), jnp.float32)
    b_heads = b_heads.at[0, :A].set(b_obj)
    b_heads = b_heads.at[0, A:A + 4 * A].set(b_reg)
    heads = pl.pallas_call(
        _heads_body,
        out_shape=jax.ShapeDtypeStruct((3840, 128), jnp.float32),
    )(t_mat, w_heads, b_heads)
    scores = heads[:H * W, :A].reshape(-1)
    reg = heads[:H * W, A:A + 4 * A].reshape(1, -1, 4)
    anchors = _grid_anchors(H, W)
    top_scores, top_idx = jax.lax.top_k(scores, PRE_NMS_TOP_N)
    codes = reg[0][top_idx]
    anc = anchors[top_idx]

    def pad(v, fill):
        return jnp.full((NPAD,), fill, jnp.float32).at[:PRE_NMS_TOP_N].set(v).reshape(NROWS, 128)

    args = (
        pad(top_scores, -jnp.inf),
        pad(codes[:, 0], 0.0), pad(codes[:, 1], 0.0),
        pad(codes[:, 2], 0.0), pad(codes[:, 3], 0.0),
        pad(anc[:, 0], 0.0), pad(anc[:, 1], 0.0),
        pad(anc[:, 2], 15.0), pad(anc[:, 3], 15.0),
    )
    out = pl.pallas_call(
        _nms_body,
        out_shape=jax.ShapeDtypeStruct((OUT_PAD_ROWS, 128), jnp.float32),
        scratch_shapes=[pltpu.VMEM((NROWS, 128), jnp.float32)] * 7,
    )(*args)
    return out[:POST_NMS_TOP_N, :5]

# --- scband reference (transcript-rebuilt; emitter-appended) ---
"""Pipeline reference for scband-rpnmodule-51281909514895 (READ-ONLY COPY).

The authoritative reference and input builder live on the scoring server;
editing this copy changes nothing except your own understanding.
"""

import jax, jax.numpy as jnp
import numpy as np

STRIDE = 16
ANCHOR_SIZE = 128.0
ASPECT_RATIOS = (0.2323283, 0.63365731, 1.28478321, 3.15089189)
IMG_H, IMG_W = 800, 1216
PRE_NMS_TOP_N = 6000
POST_NMS_TOP_N = 1000
NMS_THRESH = 0.7
BBOX_XFORM_CLIP = float(np.log(1000.0 / 16.0))
H_FEAT, W_FEAT = 50, 76
A = len(ASPECT_RATIOS)


def _cell_anchors():
    out = []
    for r in ASPECT_RATIOS:
        w = np.round(np.sqrt(ANCHOR_SIZE * ANCHOR_SIZE / r))
        h = np.round(w * r)
        xc = yc = (STRIDE - 1.0) / 2.0
        out.append([xc - 0.5 * (w - 1), yc - 0.5 * (h - 1), xc + 0.5 * (w - 1), yc + 0.5 * (h - 1)])
    return jnp.asarray(out, dtype=jnp.float32)


def _grid_anchors(H, W):
    base = _cell_anchors()
    sx = jnp.arange(W, dtype=jnp.float32) * STRIDE
    sy = jnp.arange(H, dtype=jnp.float32) * STRIDE
    gy, gx = jnp.meshgrid(sy, sx, indexing='ij')
    shifts = jnp.stack([gx.ravel(), gy.ravel(), gx.ravel(), gy.ravel()], axis=1)
    return (shifts[:, None, :] + base[None, :, :]).reshape(-1, 4)


def _conv(x, w, b):
    y = jax.lax.conv_general_dilated(x, w, (1, 1), 'SAME', dimension_numbers=('NCHW', 'OIHW', 'NCHW'))
    return y + b[None, :, None, None]


def _decode(codes, anchors):
    tw = anchors[:, 2] - anchors[:, 0] + 1.0
    th = anchors[:, 3] - anchors[:, 1] + 1.0
    cx = anchors[:, 0] + 0.5 * tw
    cy = anchors[:, 1] + 0.5 * th
    dx, dy, dw, dh = codes[:, 0], codes[:, 1], codes[:, 2], codes[:, 3]
    dw = jnp.minimum(dw, BBOX_XFORM_CLIP)
    dh = jnp.minimum(dh, BBOX_XFORM_CLIP)
    px = dx * tw + cx
    py = dy * th + cy
    pw = jnp.exp(dw) * tw
    ph = jnp.exp(dh) * th
    return jnp.stack([px - 0.5 * pw, py - 0.5 * ph, px + 0.5 * pw - 1.0, py + 0.5 * ph - 1.0], axis=1)


def _clip(boxes):
    x1 = jnp.clip(boxes[:, 0], 0.0, IMG_W - 1.0)
    y1 = jnp.clip(boxes[:, 1], 0.0, IMG_H - 1.0)
    x2 = jnp.clip(boxes[:, 2], 0.0, IMG_W - 1.0)
    y2 = jnp.clip(boxes[:, 3], 0.0, IMG_H - 1.0)
    return jnp.stack([x1, y1, x2, y2], axis=1)


def _nms(boxes, scores, thresh, max_out):
    areas = (boxes[:, 2] - boxes[:, 0] + 1.0) * (boxes[:, 3] - boxes[:, 1] + 1.0)

    def body(sw, _):
        idx = jnp.argmax(sw)
        box = boxes[idx]
        xx1 = jnp.maximum(box[0], boxes[:, 0])
        yy1 = jnp.maximum(box[1], boxes[:, 1])
        xx2 = jnp.minimum(box[2], boxes[:, 2])
        yy2 = jnp.minimum(box[3], boxes[:, 3])
        inter = jnp.maximum(0.0, xx2 - xx1 + 1.0) * jnp.maximum(0.0, yy2 - yy1 + 1.0)
        iou = inter / (areas[idx] + areas - inter)
        sw = jnp.where(iou > thresh, -jnp.inf, sw)
        return sw, idx

    _, keep = jax.lax.scan(body, scores, None, length=max_out)
    return keep


def setup_inputs(seed: int = 0):
    key = jax.random.key(seed)
    ks = jax.random.split(key, 4)
    C = 256
    features = jax.random.normal(ks[0], (1, C, H_FEAT, W_FEAT), dtype=jnp.float32)
    W_conv = jax.random.normal(ks[1], (256, C, 3, 3), dtype=jnp.float32) * 0.01
    b_conv = jnp.zeros((256,), dtype=jnp.float32)
    W_obj = jax.random.normal(ks[2], (A, 256, 1, 1), dtype=jnp.float32) * 0.01
    b_obj = jnp.zeros((A,), dtype=jnp.float32)
    W_reg = jax.random.normal(ks[3], (4 * A, 256, 1, 1), dtype=jnp.float32) * 0.01
    b_reg = jnp.zeros((4 * A,), dtype=jnp.float32)
    return {'features': features, 'W_conv': W_conv, 'b_conv': b_conv, 'W_obj': W_obj, 'b_obj': b_obj, 'W_reg': W_reg, 'b_reg': b_reg}


def reference(features, W_conv, b_conv, W_obj, b_obj, W_reg, b_reg):
    t = jax.nn.relu(_conv(features, W_conv, b_conv))
    obj = _conv(t, W_obj, b_obj)
    reg = _conv(t, W_reg, b_reg)
    B, _, H, W = obj.shape
    obj = jnp.transpose(obj, (0, 2, 3, 1)).reshape(B, -1)
    reg = reg.reshape(B, A, 4, H, W)
    reg = jnp.transpose(reg, (0, 3, 4, 1, 2)).reshape(B, -1, 4)
    anchors = _grid_anchors(H, W)
    scores = jax.nn.sigmoid(obj[0])
    top_scores, top_idx = jax.lax.top_k(scores, PRE_NMS_TOP_N)
    boxes = _clip(_decode(reg[0][top_idx], anchors[top_idx]))
    keep = _nms(boxes, top_scores, NMS_THRESH, POST_NMS_TOP_N)
    return jnp.concatenate([boxes[keep], top_scores[keep][:, None]], axis=1)

if __name__ == "__main__":
    import jax
    _d = setup_inputs()
    print(jax.jit(kernel)(*tuple(_d.values())))

</pallas_src>

<mosaic_0001>
module attributes {stable_mosaic.version = 14 : i64} {
  func.func @_heads_body(%arg0: memref<3840x256xf32, #tpu.memory_space<vmem>>, %arg1: memref<256x128xf32, #tpu.memory_space<vmem>>, %arg2: memref<1x128xf32, #tpu.memory_space<vmem>>, %arg3: memref<3840x128xf32, #tpu.memory_space<vmem>>) attributes {dimension_semantics = [], scalar_prefetch = 0 : i64, scratch_operands = 0 : i64, tpu.core_type = #tpu.core_type<tc>} {
    %get3A = arith.constant 0 : index
    %get3A_0 = arith.constant 0 : index
    %get3A_1 = vector.load %arg0[%get3A, %get3A_0] : memref<3840x256xf32, #tpu.memory_space<vmem>>, vector<3840x256xf32>
    %get3A_2 = arith.constant 0 : index
    %get3A_3 = arith.constant 0 : index
    %get3A_4 = vector.load %arg1[%get3A_2, %get3A_3] : memref<256x128xf32, #tpu.memory_space<vmem>>, vector<256x128xf32>
    %dot_general3A = arith.constant dense<0.000000e+00> : vector<3840x128xf32>
    %dot_general3A_5 = tpu.matmul %get3A_1, %get3A_4, %dot_general3A {dimension_numbers = #tpu.dot_dimension_numbers<[1], [0], [0], [1], [0, 0, 1, 1], [], []>, transpose_lhs_hint = false} : vector<3840x256xf32>, vector<256x128xf32>, vector<3840x128xf32> -> vector<3840x128xf32>
    %get3A_6 = arith.constant 0 : index
    %get3A_7 = arith.constant 0 : index
    %get3A_8 = vector.load %arg2[%get3A_6, %get3A_7] : memref<1x128xf32, #tpu.memory_space<vmem>>, vector<1x128xf32>
    %add3A = vector.broadcast %get3A_8 : vector<1x128xf32> to vector<3840x128xf32>
    %add3A_9 = arith.addf %dot_general3A_5, %add3A : vector<3840x128xf32>
    %iota3A = tpu.iota {dimensions = array<i32: 1>} : vector<3840x128xi32>
    %lt3A = arith.constant 4 : i32
    %lt3A_10 = vector.broadcast %lt3A : i32 to vector<3840x128xi32>
    %lt3A_11 = arith.cmpi slt, %iota3A, %lt3A_10 : vector<3840x128xi32>
    %logistic3A = arith.negf %add3A_9 : vector<3840x128xf32>
    %logistic3A_12 = math.exp %logistic3A : vector<3840x128xf32>
    %logistic3A_13 = arith.constant 1.000000e+00 : f32
    %logistic3A_14 = vector.broadcast %logistic3A_13 : f32 to vector<3840x128xf32>
    %logistic3A_15 = arith.addf %logistic3A_14, %logistic3A_12 : vector<3840x128xf32>
    %logistic3A_16 = arith.divf %logistic3A_14, %logistic3A_15 : vector<3840x128xf32>
    %select_n3A = arith.select %lt3A_11, %logistic3A_16, %add3A_9 : vector<3840x128xi1>, vector<3840x128xf32>
    %swap3A = arith.constant 0 : index
    %swap3A_17 = arith.constant 0 : index
    %swap3A_18 = vector.load %arg3[%swap3A, %swap3A_17] : memref<3840x128xf32, #tpu.memory_space<vmem>>, vector<3840x128xf32>
    tpu.vector_store %arg3[%swap3A, %swap3A_17], %select_n3A {strides = array<i32>} : memref<3840x128xf32, #tpu.memory_space<vmem>>, vector<3840x128xf32>,
    return
  }
}

module attributes {stable_mosaic.version = 14 : i64} {
  func.func @_nms_body(%arg0: memref<48x128xf32, #tpu.memory_space<vmem>>, %arg1: memref<48x128xf32, #tpu.memory_space<vmem>>, %arg2: memref<48x128xf32, #tpu.memory_space<vmem>>, %arg3: memref<48x128xf32, #tpu.memory_space<vmem>>, %arg4: memref<48x128xf32, #tpu.memory_space<vmem>>, %arg5: memref<48x128xf32, #tpu.memory_space<vmem>>, %arg6: memref<48x128xf32, #tpu.memory_space<vmem>>, %arg7: memref<48x128xf32, #tpu.memory_space<vmem>>, %arg8: memref<48x128xf32, #tpu.memory_space<vmem>>, %arg9: memref<1152x128xf32, #tpu.memory_space<vmem>>, %arg10: memref<48x128xf32, #tpu.memory_space<vmem>>, %arg11: memref<48x128xf32, #tpu.memory_space<vmem>>, %arg12: memref<48x128xf32, #tpu.memory_space<vmem>>, %arg13: memref<48x128xf32, #tpu.memory_space<vmem>>, %arg14: memref<48x128xf32, #tpu.memory_space<vmem>>, %arg15: memref<48x128xf32, #tpu.memory_space<vmem>>, %arg16: memref<48x128xf32, #tpu.memory_space<vmem>>) attributes {dimension_semantics = [], scalar_prefetch = 0 : i64, scratch_operands = 7 : i64, tpu.core_type = #tpu.core_type<tc>} {
    %get3A = arith.constant 0 : index
    %get3A_0 = arith.constant 0 : index
    %get3A_1 = vector.load %arg0[%get3A, %get3A_0] : memref<48x128xf32, #tpu.memory_space<vmem>>, vector<48x128xf32>
    %get3A_2 = arith.constant 0 : index
    %get3A_3 = arith.constant 0 : index
    %get3A_4 = vector.load %arg5[%get3A_2, %get3A_3] : memref<48x128xf32, #tpu.memory_space<vmem>>, vector<48x128xf32>
    %get3A_5 = arith.constant 0 : index
    %get3A_6 = arith.constant 0 : index
    %get3A_7 = vector.load %arg6[%get3A_5, %get3A_6] : memref<48x128xf32, #tpu.memory_space<vmem>>, vector<48x128xf32>
    %get3A_8 = arith.constant 0 : index
    %get3A_9 = arith.constant 0 : index
    %get3A_10 = vector.load %arg7[%get3A_8, %get3A_9] : memref<48x128xf32, #tpu.memory_space<vmem>>, vector<48x128xf32>
    %get3A_11 = arith.constant 0 : index
    %get3A_12 = arith.constant 0 : index
    %get3A_13 = vector.load %arg8[%get3A_11, %get3A_12] : memref<48x128xf32, #tpu.memory_space<vmem>>, vector<48x128xf32>
    %sub3A = arith.subf %get3A_10, %get3A_4 : vector<48x128xf32>
    %add3A = arith.constant 1.000000e+00 : f32
    %add3A_14 = vector.broadcast %add3A : f32 to vector<48x128xf32>
    %add3A_15 = arith.addf %sub3A, %add3A_14 : vector<48x128xf32>
    %sub3A_16 = arith.subf %get3A_13, %get3A_7 : vector<48x128xf32>
    %add3A_17 = arith.constant 1.000000e+00 : f32
    %add3A_18 = vector.broadcast %add3A_17 : f32 to vector<48x128xf32>
    %add3A_19 = arith.addf %sub3A_16, %add3A_18 : vector<48x128xf32>
    %mul3A = arith.constant 5.000000e-01 : f32
    %mul3A_20 = vector.broadcast %mul3A : f32 to vector<48x128xf32>
    %mul3A_21 = arith.mulf %mul3A_20, %add3A_15 : vector<48x128xf32>
    %add3A_22 = arith.addf %get3A_4, %mul3A_21 : vector<48x128xf32>
    %mul3A_23 = arith.constant 5.000000e-01 : f32
    %mul3A_24 = vector.broadcast %mul3A_23 : f32 to vector<48x128xf32>
    %mul3A_25 = arith.mulf %mul3A_24, %add3A_19 : vector<48x128xf32>
    %add3A_26 = arith.addf %get3A_7, %mul3A_25 : vector<48x128xf32>
    %get3A_27 = arith.constant 0 : index
    %get3A_28 = arith.constant 0 : index
    %get3A_29 = vector.load %arg3[%get3A_27, %get3A_28] : memref<48x128xf32, #tpu.memory_space<vmem>>, vector<48x128xf32>
    %min3A = arith.constant 4.13516665 : f32
    %min3A_30 = vector.broadcast %min3A : f32 to vector<48x128xf32>
    %min3A_31 = arith.minimumf %get3A_29, %min3A_30 : vector<48x128xf32>
    %get3A_32 = arith.constant 0 : index
    %get3A_33 = arith.constant 0 : index
    %get3A_34 = vector.load %arg4[%get3A_32, %get3A_33] : memref<48x128xf32, #tpu.memory_space<vmem>>, vector<48x128xf32>
    %min3A_35 = arith.constant 4.13516665 : f32
    %min3A_36 = vector.broadcast %min3A_35 : f32 to vector<48x128xf32>
    %min3A_37 = arith.minimumf %get3A_34, %min3A_36 : vector<48x128xf32>
    %get3A_38 = arith.constant 0 : index
    %get3A_39 = arith.constant 0 : index
    %get3A_40 = vector.load %arg1[%get3A_38, %get3A_39] : memref<48x128xf32, #tpu.memory_space<vmem>>, vector<48x128xf32>
    %mul3A_41 = arith.mulf %get3A_40, %add3A_15 : vector<48x128xf32>
    %add3A_42 = arith.addf %mul3A_41, %add3A_22 : vector<48x128xf32>
    %get3A_43 = arith.constant 0 : index
    %get3A_44 = arith.constant 0 : index
    %get3A_45 = vector.load %arg2[%get3A_43, %get3A_44] : memref<48x128xf32, #tpu.memory_space<vmem>>, vector<48x128xf32>
    %mul3A_46 = arith.mulf %get3A_45, %add3A_19 : vector<48x128xf32>
    %add3A_47 = arith.addf %mul3A_46, %add3A_26 : vector<48x128xf32>
    %exp3A = math.exp %min3A_31 : vector<48x128xf32>
    %mul3A_48 = arith.mulf %exp3A, %add3A_15 : vector<48x128xf32>
    %exp3A_49 = math.exp %min3A_37 : vector<48x128xf32>
    %mul3A_50 = arith.mulf %exp3A_49, %add3A_19 : vector<48x128xf32>
    %mul3A_51 = arith.constant 5.000000e-01 : f32
    %mul3A_52 = vector.broadcast %mul3A_51 : f32 to vector<48x128xf32>
    %mul3A_53 = arith.mulf %mul3A_52, %mul3A_48 : vector<48x128xf32>
    %sub3A_54 = arith.subf %add3A_42, %mul3A_53 : vector<48x128xf32>
    %jit3A = arith.constant 0.000000e+00 : f32
    %jit3A_55 = arith.constant 1.215000e+03 : f32
    %max3A = vector.broadcast %jit3A : f32 to vector<48x128xf32>
    %max3A_56 = arith.maximumf %max3A, %sub3A_54 : vector<48x128xf32>
    %min3A_57 = vector.broadcast %jit3A_55 : f32 to vector<48x128xf32>
    %min3A_58 = arith.minimumf %min3A_57, %max3A_56 : vector<48x128xf32>
    %mul3A_59 = arith.constant 5.000000e-01 : f32
    %mul3A_60 = vector.broadcast %mul3A_59 : f32 to vector<48x128xf32>
    %mul3A_61 = arith.mulf %mul3A_60, %mul3A_50 : vector<48x128xf32>
    %sub3A_62 = arith.subf %add3A_47, %mul3A_61 : vector<48x128xf32>
    %jit3A_63 = arith.constant 0.000000e+00 : f32
    %jit3A_64 = arith.constant 7.990000e+02 : f32
    %max3A_65 = vector.broadcast %jit3A_63 : f32 to vector<48x128xf32>
    %max3A_66 = arith.maximumf %max3A_65, %sub3A_62 : vector<48x128xf32>
    %min3A_67 = vector.broadcast %jit3A_64 : f32 to vector<48x128xf32>
    %min3A_68 = arith.minimumf %min3A_67, %max3A_66 : vector<48x128xf32>
    %mul3A_69 = arith.constant 5.000000e-01 : f32
    %mul3A_70 = vector.broadcast %mul3A_69 : f32 to vector<48x128xf32>
    %mul3A_71 = arith.mulf %mul3A_70, %mul3A_48 : vector<48x128xf32>
    %add3A_72 = arith.addf %add3A_42, %mul3A_71 : vector<48x128xf32>
    %sub3A_73 = arith.constant 1.000000e+00 : f32
    %sub3A_74 = vector.broadcast %sub3A_73 : f32 to vector<48x128xf32>
    %sub3A_75 = arith.subf %add3A_72, %sub3A_74 : vector<48x128xf32>
    %jit3A_76 = arith.constant 0.000000e+00 : f32
    %jit3A_77 = arith.constant 1.215000e+03 : f32
    %max3A_78 = vector.broadcast %jit3A_76 : f32 to vector<48x128xf32>
    %max3A_79 = arith.maximumf %max3A_78, %sub3A_75 : vector<48x128xf32>
    %min3A_80 = vector.broadcast %jit3A_77 : f32 to vector<48x128xf32>
    %min3A_81 = arith.minimumf %min3A_80, %max3A_79 : vector<48x128xf32>
    %mul3A_82 = arith.constant 5.000000e-01 : f32
    %mul3A_83 = vector.broadcast %mul3A_82 : f32 to vector<48x128xf32>
    %mul3A_84 = arith.mulf %mul3A_83, %mul3A_50 : vector<48x128xf32>
    %add3A_85 = arith.addf %add3A_47, %mul3A_84 : vector<48x128xf32>
    %sub3A_86 = arith.constant 1.000000e+00 : f32
    %sub3A_87 = vector.broadcast %sub3A_86 : f32 to vector<48x128xf32>
    %sub3A_88 = arith.subf %add3A_85, %sub3A_87 : vector<48x128xf32>
    %jit3A_89 = arith.constant 0.000000e+00 : f32
    %jit3A_90 = arith.constant 7.990000e+02 : f32
    %max3A_91 = vector.broadcast %jit3A_89 : f32 to vector<48x128xf32>
    %max3A_92 = arith.maximumf %max3A_91, %sub3A_88 : vector<48x128xf32>
    %min3A_93 = vector.broadcast %jit3A_90 : f32 to vector<48x128xf32>
    %min3A_94 = arith.minimumf %min3A_93, %max3A_92 : vector<48x128xf32>
    %sub3A_95 = arith.subf %min3A_81, %min3A_58 : vector<48x128xf32>
    %add3A_96 = arith.constant 1.000000e+00 : f32
    %add3A_97 = vector.broadcast %add3A_96 : f32 to vector<48x128xf32>
    %add3A_98 = arith.addf %sub3A_95, %add3A_97 : vector<48x128xf32>
    %sub3A_99 = arith.subf %min3A_94, %min3A_68 : vector<48x128xf32>
    %add3A_100 = arith.constant 1.000000e+00 : f32
    %add3A_101 = vector.broadcast %add3A_100 : f32 to vector<48x128xf32>
    %add3A_102 = arith.addf %sub3A_99, %add3A_101 : vector<48x128xf32>
    %mul3A_103 = arith.mulf %add3A_98, %add3A_102 : vector<48x128xf32>
    %swap3A = arith.constant 0 : index
    %swap3A_104 = arith.constant 0 : index
    %swap3A_105 = vector.load %arg10[%swap3A, %swap3A_104] : memref<48x128xf32, #tpu.memory_space<vmem>>, vector<48x128xf32>
    tpu.vector_store %arg10[%swap3A, %swap3A_104], %get3A_1 {strides = array<i32>} : memref<48x128xf32, #tpu.memory_space<vmem>>, vector<48x128xf32>,
    %swap3A_106 = arith.constant 0 : index
    %swap3A_107 = arith.constant 0 : index
    %swap3A_108 = vector.load %arg11[%swap3A_106, %swap3A_107] : memref<48x128xf32, #tpu.memory_space<vmem>>, vector<48x128xf32>
    tpu.vector_store %arg11[%swap3A_106, %swap3A_107], %min3A_58 {strides = array<i32>} : memref<48x128xf32, #tpu.memory_space<vmem>>, vector<48x128xf32>,
    %swap3A_109 = arith.constant 0 : index
    %swap3A_110 = arith.constant 0 : index
    %swap3A_111 = vector.load %arg12[%swap3A_109, %swap3A_110] : memref<48x128xf32, #tpu.memory_space<vmem>>, vector<48x128xf32>
    tpu.vector_store %arg12[%swap3A_109, %swap3A_110], %min3A_68 {strides = array<i32>} : memref<48x128xf32, #tpu.memory_space<vmem>>, vector<48x128xf32>,
    %swap3A_112 = arith.constant 0 : index
    %swap3A_113 = arith.constant 0 : index
    %swap3A_114 = vector.load %arg13[%swap3A_112, %swap3A_113] : memref<48x128xf32, #tpu.memory_space<vmem>>, vector<48x128xf32>
    tpu.vector_store %arg13[%swap3A_112, %swap3A_113], %min3A_81 {strides = array<i32>} : memref<48x128xf32, #tpu.memory_space<vmem>>, vector<48x128xf32>,
    %swap3A_115 = arith.constant 0 : index
    %swap3A_116 = arith.constant 0 : index
    %swap3A_117 = vector.load %arg14[%swap3A_115, %swap3A_116] : memref<48x128xf32, #tpu.memory_space<vmem>>, vector<48x128xf32>
    tpu.vector_store %arg14[%swap3A_115, %swap3A_116], %min3A_94 {strides = array<i32>} : memref<48x128xf32, #tpu.memory_space<vmem>>, vector<48x128xf32>,
    %swap3A_118 = arith.constant 0 : index
    %swap3A_119 = arith.constant 0 : index
    %swap3A_120 = vector.load %arg15[%swap3A_118, %swap3A_119] : memref<48x128xf32, #tpu.memory_space<vmem>>, vector<48x128xf32>
    tpu.vector_store %arg15[%swap3A_118, %swap3A_119], %mul3A_103 {strides = array<i32>} : memref<48x128xf32, #tpu.memory_space<vmem>>, vector<48x128xf32>,
    %swap3A_121 = arith.constant 0 : index
    %swap3A_122 = arith.constant 0 : index
    %swap3A_123 = vector.load %arg16[%swap3A_121, %swap3A_122] : memref<48x128xf32, #tpu.memory_space<vmem>>, vector<48x128xf32>
    tpu.vector_store %arg16[%swap3A_121, %swap3A_122], %get3A_1 {strides = array<i32>} : memref<48x128xf32, #tpu.memory_space<vmem>>, vector<48x128xf32>,
    %iota3A = tpu.iota {dimensions = array<i32: 1>} : vector<1x128xi32>
    %iota3A_124 = tpu.iota {dimensions = array<i32: 0>} : vector<128x128xi32>
    %iota3A_125 = tpu.iota {dimensions = array<i32: 1>} : vector<128x128xi32>
    %lt3A = arith.cmpi slt, %iota3A_124, %iota3A_125 : vector<128x128xi32>
    %eq3A = arith.constant 0 : i32
    %eq3A_126 = vector.broadcast %eq3A : i32 to vector<1x128xi32>
    %eq3A_127 = arith.cmpi eq, %iota3A, %eq3A_126 : vector<1x128xi32>
    %get3A_128 = arith.constant 0 : index
    %get3A_129 = arith.constant 0 : index
    %get3A_130 = vector.load %arg11[%get3A_128, %get3A_129] : memref<48x128xf32, #tpu.memory_space<vmem>>, vector<1x1xf32>
    %get3A_131 = vector.extract %get3A_130[0, 0] : f32 from vector<1x1xf32>
    %eq3A_132 = arith.constant 1 : i32
    %eq3A_133 = vector.broadcast %eq3A_132 : i32 to vector<1x128xi32>
    %eq3A_134 = arith.cmpi eq, %iota3A, %eq3A_133 : vector<1x128xi32>
    %get3A_135 = arith.constant 0 : index
    %get3A_136 = arith.constant 0 : index
    %get3A_137 = vector.load %arg12[%get3A_135, %get3A_136] : memref<48x128xf32, #tpu.memory_space<vmem>>, vector<1x1xf32>
    %get3A_138 = vector.extract %get3A_137[0, 0] : f32 from vector<1x1xf32>
    %eq3A_139 = arith.constant 2 : i32
    %eq3A_140 = vector.broadcast %eq3A_139 : i32 to vector<1x128xi32>
    %eq3A_141 = arith.cmpi eq, %iota3A, %eq3A_140 : vector<1x128xi32>
    %get3A_142 = arith.constant 0 : index
    %get3A_143 = arith.constant 0 : index
    %get3A_144 = vector.load %arg13[%get3A_142, %get3A_143] : memref<48x128xf32, #tpu.memory_space<vmem>>, vector<1x1xf32>
    %get3A_145 = vector.extract %get3A_144[0, 0] : f32 from vector<1x1xf32>
    %eq3A_146 = arith.constant 3 : i32
    %eq3A_147 = vector.broadcast %eq3A_146 : i32 to vector<1x128xi32>
    %eq3A_148 = arith.cmpi eq, %iota3A, %eq3A_147 : vector<1x128xi32>
    %get3A_149 = arith.constant 0 : index
    %get3A_150 = arith.constant 0 : index
    %get3A_151 = vector.load %arg14[%get3A_149, %get3A_150] : memref<48x128xf32, #tpu.memory_space<vmem>>, vector<1x1xf32>
    %get3A_152 = vector.extract %get3A_151[0, 0] : f32 from vector<1x1xf32>
    %eq3A_153 = arith.constant 4 : i32
    %eq3A_154 = vector.broadcast %eq3A_153 : i32 to vector<1x128xi32>
    %eq3A_155 = arith.cmpi eq, %iota3A, %eq3A_154 : vector<1x128xi32>
    %get3A_156 = arith.constant 0 : index
    %get3A_157 = arith.constant 0 : index
    %get3A_158 = vector.load %arg16[%get3A_156, %get3A_157] : memref<48x128xf32, #tpu.memory_space<vmem>>, vector<1x1xf32>
    %get3A_159 = vector.extract %get3A_158[0, 0] : f32 from vector<1x1xf32>
    %jit3A_160 = arith.constant 0.000000e+00 : f32
    %broadcast_in_dim3A = vector.broadcast %get3A_159 : f32 to vector<1x128xf32>
    %broadcast_in_dim3A_161 = vector.broadcast %jit3A_160 : f32 to vector<1x128xf32>
    %select_n3A = arith.select %eq3A_155, %broadcast_in_dim3A, %broadcast_in_dim3A_161 : vector<1x128xi1>, vector<1x128xf32>
    %broadcast_in_dim3A_162 = vector.broadcast %get3A_152 : f32 to vector<1x128xf32>
    %select_n3A_163 = arith.select %eq3A_148, %broadcast_in_dim3A_162, %select_n3A : vector<1x128xi1>, vector<1x128xf32>
    %broadcast_in_dim3A_164 = vector.broadcast %get3A_145 : f32 to vector<1x128xf32>
    %select_n3A_165 = arith.select %eq3A_141, %broadcast_in_dim3A_164, %select_n3A_163 : vector<1x128xi1>, vector<1x128xf32>
    %broadcast_in_dim3A_166 = vector.broadcast %get3A_138 : f32 to vector<1x128xf32>
    %select_n3A_167 = arith.select %eq3A_134, %broadcast_in_dim3A_166, %select_n3A_165 : vector<1x128xi1>, vector<1x128xf32>
    %broadcast_in_dim3A_168 = vector.broadcast %get3A_131 : f32 to vector<1x128xf32>
    %select_n3A_169 = arith.select %eq3A_127, %broadcast_in_dim3A_168, %select_n3A_167 : vector<1x128xi1>, vector<1x128xf32>
    %broadcast_in_dim3A_170 = vector.shape_cast %select_n3A_169 : vector<1x128xf32> to vector<1x128xf32>
    %broadcast_in_dim3A_171 = vector.broadcast %broadcast_in_dim3A_170 : vector<1x128xf32> to vector<128x128xf32>
    %swap3A_172 = arith.constant 0 : index
    %swap3A_173 = arith.constant 0 : index
    %swap3A_174 = vector.load %arg9[%swap3A_172, %swap3A_173] : memref<1152x128xf32, #tpu.memory_space<vmem>>, vector<128x128xf32>
    tpu.vector_store %arg9[%swap3A_172, %swap3A_173], %broadcast_in_dim3A_171 {strides = array<i32>} : memref<1152x128xf32, #tpu.memory_space<vmem>>, vector<128x128xf32>,
    %swap3A_175 = arith.constant 128 : index
    %swap3A_176 = arith.constant 0 : index
    %swap3A_177 = vector.load %arg9[%swap3A_175, %swap3A_176] : memref<1152x128xf32, #tpu.memory_space<vmem>>, vector<128x128xf32>
    tpu.vector_store %arg9[%swap3A_175, %swap3A_176], %broadcast_in_dim3A_171 {strides = array<i32>} : memref<1152x128xf32, #tpu.memory_space<vmem>>, vector<128x128xf32>,
    %swap3A_178 = arith.constant 256 : index
    %swap3A_179 = arith.constant 0 : index
    %swap3A_180 = vector.load %arg9[%swap3A_178, %swap3A_179] : memref<1152x128xf32, #tpu.memory_space<vmem>>, vector<128x128xf32>
    tpu.vector_store %arg9[%swap3A_178, %swap3A_179], %broadcast_in_dim3A_171 {strides = array<i32>} : memref<1152x128xf32, #tpu.memory_space<vmem>>, vector<128x128xf32>,
    %swap3A_181 = arith.constant 384 : index
    %swap3A_182 = arith.constant 0 : index
    %swap3A_183 = vector.load %arg9[%swap3A_181, %swap3A_182] : memref<1152x128xf32, #tpu.memory_space<vmem>>, vector<128x128xf32>
    tpu.vector_store %arg9[%swap3A_181, %swap3A_182], %broadcast_in_dim3A_171 {strides = array<i32>} : memref<1152x128xf32, #tpu.memory_space<vmem>>, vector<128x128xf32>,
    %swap3A_184 = arith.constant 512 : index
    %swap3A_185 = arith.constant 0 : index
    %swap3A_186 = vector.load %arg9[%swap3A_184, %swap3A_185] : memref<1152x128xf32, #tpu.memory_space<vmem>>, vector<128x128xf32>
    tpu.vector_store %arg9[%swap3A_184, %swap3A_185], %broadcast_in_dim3A_171 {strides = array<i32>} : memref<1152x128xf32, #tpu.memory_space<vmem>>, vector<128x128xf32>,
    %swap3A_187 = arith.constant 640 : index
    %swap3A_188 = arith.constant 0 : index
    %swap3A_189 = vector.load %arg9[%swap3A_187, %swap3A_188] : memref<1152x128xf32, #tpu.memory_space<vmem>>, vector<128x128xf32>
    tpu.vector_store %arg9[%swap3A_187, %swap3A_188], %broadcast_in_dim3A_171 {strides = array<i32>} : memref<1152x128xf32, #tpu.memory_space<vmem>>, vector<128x128xf32>,
    %swap3A_190 = arith.constant 768 : index
    %swap3A_191 = arith.constant 0 : index
    %swap3A_192 = vector.load %arg9[%swap3A_190, %swap3A_191] : memref<1152x128xf32, #tpu.memory_space<vmem>>, vector<128x128xf32>
    tpu.vector_store %arg9[%swap3A_190, %swap3A_191], %broadcast_in_dim3A_171 {strides = array<i32>} : memref<1152x128xf32, #tpu.memory_space<vmem>>, vector<128x128xf32>,
    %swap3A_193 = arith.constant 896 : index
    %swap3A_194 = arith.constant 0 : index
    %swap3A_195 = vector.load %arg9[%swap3A_193, %swap3A_194] : memref<1152x128xf32, #tpu.memory_space<vmem>>, vector<128x128xf32>
    tpu.vector_store %arg9[%swap3A_193, %swap3A_194], %broadcast_in_dim3A_171 {strides = array<i32>} : memref<1152x128xf32, #tpu.memory_space<vmem>>, vector<128x128xf32>,
    %swap3A_196 = arith.constant 1024 : index
    %swap3A_197 = arith.constant 0 : index
    %swap3A_198 = vector.load %arg9[%swap3A_196, %swap3A_197] : memref<1152x128xf32, #tpu.memory_space<vmem>>, vector<128x128xf32>
    tpu.vector_store %arg9[%swap3A_196, %swap3A_197], %broadcast_in_dim3A_171 {strides = array<i32>} : memref<1152x128xf32, #tpu.memory_space<vmem>>, vector<128x128xf32>,
    %scan3A = arith.constant 0xFF800000 : f32
    %scan3A_199 = arith.constant 0 : i32
    %scan3A_200 = arith.constant 0 : i32
    %scan3A_201 = arith.constant 48 : i32
    %scan3A_202 = arith.addi %scan3A_200, %scan3A_201 : i32
    %scan3A_203 = arith.constant 1 : i32
    %scan3A_204 = scf.for %scan3A_206 = %scan3A_200 to %scan3A_202 step %scan3A_203 iter_args(%scan3A_207 = %scan3A_199) -> (i32)  : i32 {
      %get3A_208 = arith.index_cast %scan3A_206 : i32 to index
      %get3A_209 = arith.constant 0 : index
      %get3A_210 = vector.load %arg11[%get3A_208, %get3A_209] : memref<48x128xf32, #tpu.memory_space<vmem>>, vector<1x128xf32>
      %broadcast_in_dim3A_211 = vector.shape_cast %get3A_210 : vector<1x128xf32> to vector<1x128xf32>
      %broadcast_in_dim3A_212 = vector.broadcast %broadcast_in_dim3A_211 : vector<1x128xf32> to vector<128x128xf32>
      %transpose3A = tpu.transpose %broadcast_in_dim3A_212, [1, 0] : vector<128x128xf32> -> vector<128x128xf32>
      %get3A_213 = arith.index_cast %scan3A_206 : i32 to index
      %get3A_214 = arith.constant 0 : index
      %get3A_215 = vector.load %arg12[%get3A_213, %get3A_214] : memref<48x128xf32, #tpu.memory_space<vmem>>, vector<1x128xf32>
      %broadcast_in_dim3A_216 = vector.shape_cast %get3A_215 : vector<1x128xf32> to vector<1x128xf32>
      %broadcast_in_dim3A_217 = vector.broadcast %broadcast_in_dim3A_216 : vector<1x128xf32> to vector<128x128xf32>
      %transpose3A_218 = tpu.transpose %broadcast_in_dim3A_217, [1, 0] : vector<128x128xf32> -> vector<128x128xf32>
      %get3A_219 = arith.index_cast %scan3A_206 : i32 to index
      %get3A_220 = arith.constant 0 : index
      %get3A_221 = vector.load %arg13[%get3A_219, %get3A_220] : memref<48x128xf32, #tpu.memory_space<vmem>>, vector<1x128xf32>
      %broadcast_in_dim3A_222 = vector.shape_cast %get3A_221 : vector<1x128xf32> to vector<1x128xf32>
      %broadcast_in_dim3A_223 = vector.broadcast %broadcast_in_dim3A_222 : vector<1x128xf32> to vector<128x128xf32>
      %transpose3A_224 = tpu.transpose %broadcast_in_dim3A_223, [1, 0] : vector<128x128xf32> -> vector<128x128xf32>
      %get3A_225 = arith.index_cast %scan3A_206 : i32 to index
      %get3A_226 = arith.constant 0 : index
      %get3A_227 = vector.load %arg14[%get3A_225, %get3A_226] : memref<48x128xf32, #tpu.memory_space<vmem>>, vector<1x128xf32>
      %broadcast_in_dim3A_228 = vector.shape_cast %get3A_227 : vector<1x128xf32> to vector<1x128xf32>
      %broadcast_in_dim3A_229 = vector.broadcast %broadcast_in_dim3A_228 : vector<1x128xf32> to vector<128x128xf32>
      %transpose3A_230 = tpu.transpose %broadcast_in_dim3A_229, [1, 0] : vector<128x128xf32> -> vector<128x128xf32>
      %get3A_231 = arith.index_cast %scan3A_206 : i32 to index
      %get3A_232 = arith.constant 0 : index
      %get3A_233 = vector.load %arg15[%get3A_231, %get3A_232] : memref<48x128xf32, #tpu.memory_space<vmem>>, vector<1x128xf32>
      %broadcast_in_dim3A_234 = vector.shape_cast %get3A_233 : vector<1x128xf32> to vector<1x128xf32>
      %broadcast_in_dim3A_235 = vector.broadcast %broadcast_in_dim3A_234 : vector<1x128xf32> to vector<128x128xf32>
      %transpose3A_236 = tpu.transpose %broadcast_in_dim3A_235, [1, 0] : vector<128x128xf32> -> vector<128x128xf32>
      %get3A_237 = arith.index_cast %scan3A_206 : i32 to index
      %get3A_238 = arith.constant 0 : index
      %get3A_239 = vector.load %arg16[%get3A_237, %get3A_238] : memref<48x128xf32, #tpu.memory_space<vmem>>, vector<1x128xf32>
      %broadcast_in_dim3A_240 = vector.shape_cast %get3A_239 : vector<1x128xf32> to vector<1x128xf32>
      %broadcast_in_dim3A_241 = vector.broadcast %broadcast_in_dim3A_240 : vector<1x128xf32> to vector<128x128xf32>
      %transpose3A_242 = tpu.transpose %broadcast_in_dim3A_241, [1, 0] : vector<128x128xf32> -> vector<128x128xf32>
      %get3A_243 = arith.index_cast %scan3A_206 : i32 to index
      %get3A_244 = arith.constant 0 : index
      %get3A_245 = vector.load %arg10[%get3A_243, %get3A_244] : memref<48x128xf32, #tpu.memory_space<vmem>>, vector<1x128xf32>
      %gt3A = vector.broadcast %scan3A : f32 to vector<1x128xf32>
      %gt3A_246 = arith.cmpf ogt, %get3A_245, %gt3A : vector<1x128xf32>
      %get3A_247 = arith.index_cast %scan3A_206 : i32 to index
      %get3A_248 = arith.constant 0 : index
      %get3A_249 = vector.load %arg11[%get3A_247, %get3A_248] : memref<48x128xf32, #tpu.memory_space<vmem>>, vector<1x128xf32>
      %broadcast_in_dim3A_250 = vector.shape_cast %get3A_249 : vector<1x128xf32> to vector<1x128xf32>
      %broadcast_in_dim3A_251 = vector.broadcast %broadcast_in_dim3A_250 : vector<1x128xf32> to vector<128x128xf32>
      %max3A_252 = arith.maximumf %transpose3A, %broadcast_in_dim3A_251 : vector<128x128xf32>
      %get3A_253 = arith.index_cast %scan3A_206 : i32 to index
      %get3A_254 = arith.constant 0 : index
      %get3A_255 = vector.load %arg12[%get3A_253, %get3A_254] : memref<48x128xf32, #tpu.memory_space<vmem>>, vector<1x128xf32>
      %broadcast_in_dim3A_256 = vector.shape_cast %get3A_255 : vector<1x128xf32> to vector<1x128xf32>
      %broadcast_in_dim3A_257 = vector.broadcast %broadcast_in_dim3A_256 : vector<1x128xf32> to vector<128x128xf32>
      %max3A_258 = arith.maximumf %transpose3A_218, %broadcast_in_dim3A_257 : vector<128x128xf32>
      %get3A_259 = arith.index_cast %scan3A_206 : i32 to index
      %get3A_260 = arith.constant 0 : index
      %get3A_261 = vector.load %arg13[%get3A_259, %get3A_260] : memref<48x128xf32, #tpu.memory_space<vmem>>, vector<1x128xf32>
      %broadcast_in_dim3A_262 = vector.shape_cast %get3A_261 : vector<1x128xf32> to vector<1x128xf32>
      %broadcast_in_dim3A_263 = vector.broadcast %broadcast_in_dim3A_262 : vector<1x128xf32> to vector<128x128xf32>
      %min3A_264 = arith.minimumf %transpose3A_224, %broadcast_in_dim3A_263 : vector<128x128xf32>
      %get3A_265 = arith.index_cast %scan3A_206 : i32 to index
      %get3A_266 = arith.constant 0 : index
      %get3A_267 = vector.load %arg14[%get3A_265, %get3A_266] : memref<48x128xf32, #tpu.memory_space<vmem>>, vector<1x128xf32>
      %broadcast_in_dim3A_268 = vector.shape_cast %get3A_267 : vector<1x128xf32> to vector<1x128xf32>
      %broadcast_in_dim3A_269 = vector.broadcast %broadcast_in_dim3A_268 : vector<1x128xf32> to vector<128x128xf32>
      %min3A_270 = arith.minimumf %transpose3A_230, %broadcast_in_dim3A_269 : vector<128x128xf32>
      %sub3A_271 = arith.subf %min3A_264, %max3A_252 : vector<128x128xf32>
      %add3A_272 = arith.constant 1.000000e+00 : f32
      %add3A_273 = vector.broadcast %add3A_272 : f32 to vector<128x128xf32>
      %add3A_274 = arith.addf %sub3A_271, %add3A_273 : vector<128x128xf32>
      %max3A_275 = arith.constant 0.000000e+00 : f32
      %max3A_276 = vector.broadcast %max3A_275 : f32 to vector<128x128xf32>
      %max3A_277 = arith.maximumf %max3A_276, %add3A_274 : vector<128x128xf32>
      %sub3A_278 = arith.subf %min3A_270, %max3A_258 : vector<128x128xf32>
      %add3A_279 = arith.constant 1.000000e+00 : f32
      %add3A_280 = vector.broadcast %add3A_279 : f32 to vector<128x128xf32>
      %add3A_281 = arith.addf %sub3A_278, %add3A_280 : vector<128x128xf32>
      %max3A_282 = arith.constant 0.000000e+00 : f32
      %max3A_283 = vector.broadcast %max3A_282 : f32 to vector<128x128xf32>
      %max3A_284 = arith.maximumf %max3A_283, %add3A_281 : vector<128x128xf32>
      %mul3A_285 = arith.mulf %max3A_277, %max3A_284 : vector<128x128xf32>
      %get3A_286 = arith.index_cast %scan3A_206 : i32 to index
      %get3A_287 = arith.constant 0 : index
      %get3A_288 = vector.load %arg15[%get3A_286, %get3A_287] : memref<48x128xf32, #tpu.memory_space<vmem>>, vector<1x128xf32>
      %broadcast_in_dim3A_289 = vector.shape_cast %get3A_288 : vector<1x128xf32> to vector<1x128xf32>
      %broadcast_in_dim3A_290 = vector.broadcast %broadcast_in_dim3A_289 : vector<1x128xf32> to vector<128x128xf32>
      %add3A_291 = arith.addf %transpose3A_236, %broadcast_in_dim3A_290 : vector<128x128xf32>
      %sub3A_292 = arith.subf %add3A_291, %mul3A_285 : vector<128x128xf32>
      %div3A = arith.divf %mul3A_285, %sub3A_292 : vector<128x128xf32>
      %gt3A_293 = arith.constant 0.699999988 : f32
      %gt3A_294 = vector.broadcast %gt3A_293 : f32 to vector<128x128xf32>
      %gt3A_295 = arith.cmpf ogt, %div3A, %gt3A_294 : vector<128x128xf32>
      %and3A = arith.andi %gt3A_295, %lt3A : vector<128x128xi1>
      %jit3A_296 = arith.constant 1.000000e+00 : f32
      %jit3A_297 = arith.constant 0.000000e+00 : f32
      %broadcast_in_dim3A_298 = vector.broadcast %jit3A_296 : f32 to vector<128x128xf32>
      %broadcast_in_dim3A_299 = vector.broadcast %jit3A_297 : f32 to vector<128x128xf32>
      %select_n3A_300 = arith.select %and3A, %broadcast_in_dim3A_298, %broadcast_in_dim3A_299 : vector<128x128xi1>, vector<128x128xf32>
      %jit3A_301 = arith.constant 1.000000e+00 : f32
      %jit3A_302 = arith.constant 0.000000e+00 : f32
      %broadcast_in_dim3A_303 = vector.broadcast %jit3A_301 : f32 to vector<1x128xf32>
      %broadcast_in_dim3A_304 = vector.broadcast %jit3A_302 : f32 to vector<1x128xf32>
      %select_n3A_305 = arith.select %gt3A_246, %broadcast_in_dim3A_303, %broadcast_in_dim3A_304 : vector<1x128xi1>, vector<1x128xf32>
      %while3A = arith.constant true
      %while3A_306:2 = scf.while (%while3A_337 = %select_n3A_305, %while3A_338 = %while3A) : (vector<1x128xf32>, i1) -> (vector<1x128xf32>, i1) {
        scf.condition(%while3A_338) %while3A_337, %while3A_338 : vector<1x128xf32>, i1
      } do {
      ^bb0(%while3A_337: vector<1x128xf32>, %while3A_338: i1):
        %dot_general3A_339 = arith.constant dense<0.000000e+00> : vector<1x128xf32>
        %dot_general3A_340 = tpu.matmul %while3A_337, %select_n3A_300, %dot_general3A_339 {dimension_numbers = #tpu.dot_dimension_numbers<[1], [0], [0], [1], [0, 0, 1, 1], [], []>, transpose_lhs_hint = false} : vector<1x128xf32>, vector<128x128xf32>, vector<1x128xf32> -> vector<1x128xf32>
        %eq3A_341 = arith.constant 0.000000e+00 : f32
        %eq3A_342 = vector.broadcast %eq3A_341 : f32 to vector<1x128xf32>
        %eq3A_343 = arith.cmpf oeq, %dot_general3A_340, %eq3A_342 : vector<1x128xf32>
        %and3A_344 = arith.andi %gt3A_246, %eq3A_343 : vector<1x128xi1>
        %jit3A_345 = arith.constant 1.000000e+00 : f32
        %jit3A_346 = arith.constant 0.000000e+00 : f32
        %broadcast_in_dim3A_347 = vector.broadcast %jit3A_345 : f32 to vector<1x128xf32>
        %broadcast_in_dim3A_348 = vector.broadcast %jit3A_346 : f32 to vector<1x128xf32>
        %select_n3A_349 = arith.select %and3A_344, %broadcast_in_dim3A_347, %broadcast_in_dim3A_348 : vector<1x128xi1>, vector<1x128xf32>
        %ne3A = arith.cmpf one, %select_n3A_349, %while3A_337 : vector<1x128xf32>
        %reduce_or3A = arith.constant 1.000000e+00 : f32
        %reduce_or3A_350 = arith.constant 0.000000e+00 : f32
        %reduce_or3A_351 = vector.broadcast %reduce_or3A : f32 to vector<1x128xf32>
        %reduce_or3A_352 = vector.broadcast %reduce_or3A_350 : f32 to vector<1x128xf32>
        %reduce_or3A_353 = arith.select %ne3A, %reduce_or3A_351, %reduce_or3A_352 : vector<1x128xi1>, vector<1x128xf32>
        %reduce_or3A_354 = vector.shape_cast %reduce_or3A_353 : vector<1x128xf32> to vector<1x1x128xf32>
        %reduce_or3A_355 = arith.constant dense<0xFF800000> : vector<1xf32>
        %reduce_or3A_356 = vector.multi_reduction <maximumf>, %reduce_or3A_354, %reduce_or3A_355 [1, 2] : vector<1x1x128xf32> to vector<1xf32>
        %reduce_or3A_357 = vector.shape_cast %reduce_or3A_356 : vector<1xf32> to vector<1x1x1xf32>
        %reduce_or3A_358 = vector.extract %reduce_or3A_357[0, 0, 0] : f32 from vector<1x1x1xf32>
        %reduce_or3A_359 = arith.constant 0.000000e+00 : f32
        %reduce_or3A_360 = arith.cmpf ogt, %reduce_or3A_358, %reduce_or3A_359 : f32
        scf.yield %select_n3A_349, %reduce_or3A_360 : vector<1x128xf32>, i1
      }
      %reduce_sum3A = vector.shape_cast %while3A_306#0 : vector<1x128xf32> to vector<1x1x128xf32>
      %reduce_sum3A_307 = arith.constant dense<0.000000e+00> : vector<1xf32>
      %reduce_sum3A_308 = vector.multi_reduction <add>, %reduce_sum3A, %reduce_sum3A_307 [1, 2] : vector<1x1x128xf32> to vector<1xf32>
      %reduce_sum3A_309 = vector.shape_cast %reduce_sum3A_308 : vector<1xf32> to vector<1x1x1xf32>
      %reduce_sum3A_310 = vector.extract %reduce_sum3A_309[0, 0, 0] : f32 from vector<1x1x1xf32>
      %convert_element_type3A = arith.fptosi %reduce_sum3A_310 : f32 to i32
      %jit3A_311 = arith.constant 1.000000e+00 : f32
      %jit3A_312 = arith.constant 0.000000e+00 : f32
      %broadcast_in_dim3A_313 = vector.broadcast %jit3A_311 : f32 to vector<128x128xf32>
      %broadcast_in_dim3A_314 = vector.broadcast %jit3A_312 : f32 to vector<128x128xf32>
      %select_n3A_315 = arith.select %lt3A, %broadcast_in_dim3A_313, %broadcast_in_dim3A_314 : vector<128x128xi1>, vector<128x128xf32>
      %dot_general3A = arith.constant dense<0.000000e+00> : vector<1x128xf32>
      %dot_general3A_316 = tpu.matmul %while3A_306#0, %select_n3A_315, %dot_general3A {dimension_numbers = #tpu.dot_dimension_numbers<[1], [0], [0], [1], [0, 0, 1, 1], [], []>, transpose_lhs_hint = false} : vector<1x128xf32>, vector<128x128xf32>, vector<1x128xf32> -> vector<1x128xf32>
      %convert_element_type3A_317 = arith.fptosi %dot_general3A_316 : vector<1x128xf32> to vector<1x128xi32>
      %lt3A_318 = arith.constant 1000 : i32
      %lt3A_319 = arith.cmpi slt, %scan3A_207, %lt3A_318 : i32
      %convert_element_type3A_320 = arith.extui %lt3A_319 : i1 to i32
      %cond3A = arith.constant 0 : i32
      %cond3A_321 = arith.cmpi ne, %convert_element_type3A_320, %cond3A : i32
      scf.if %cond3A_321 {
        %broadcast_in_dim3A_337 = vector.shape_cast %convert_element_type3A_317 : vector<1x128xi32> to vector<1x128xi32>
        %broadcast_in_dim3A_338 = vector.broadcast %broadcast_in_dim3A_337 : vector<1x128xi32> to vector<128x128xi32>
        %eq3A_339 = arith.cmpi eq, %broadcast_in_dim3A_338, %iota3A_124 : vector<128x128xi32>
        %broadcast_in_dim3A_340 = vector.shape_cast %while3A_306#0 : vector<1x128xf32> to vector<1x128xf32>
        %broadcast_in_dim3A_341 = vector.broadcast %broadcast_in_dim3A_340 : vector<1x128xf32> to vector<128x128xf32>
        %gt3A_342 = arith.constant 0.000000e+00 : f32
        %gt3A_343 = vector.broadcast %gt3A_342 : f32 to vector<128x128xf32>
        %gt3A_344 = arith.cmpf ogt, %broadcast_in_dim3A_341, %gt3A_343 : vector<128x128xf32>
        %and3A_345 = arith.andi %eq3A_339, %gt3A_344 : vector<128x128xi1>
        %jit3A_346 = arith.constant 1.000000e+00 : f32
        %jit3A_347 = arith.constant 0.000000e+00 : f32
        %broadcast_in_dim3A_348 = vector.broadcast %jit3A_346 : f32 to vector<128x128xf32>
        %broadcast_in_dim3A_349 = vector.broadcast %jit3A_347 : f32 to vector<128x128xf32>
        %select_n3A_350 = arith.select %and3A_345, %broadcast_in_dim3A_348, %broadcast_in_dim3A_349 : vector<128x128xi1>, vector<128x128xf32>
        %eq3A_351 = arith.constant 0 : i32
        %eq3A_352 = vector.broadcast %eq3A_351 : i32 to vector<128x128xi32>
        %eq3A_353 = arith.cmpi eq, %iota3A_125, %eq3A_352 : vector<128x128xi32>
        %eq3A_354 = arith.constant 1 : i32
        %eq3A_355 = vector.broadcast %eq3A_354 : i32 to vector<128x128xi32>
        %eq3A_356 = arith.cmpi eq, %iota3A_125, %eq3A_355 : vector<128x128xi32>
        %eq3A_357 = arith.constant 2 : i32
        %eq3A_358 = vector.broadcast %eq3A_357 : i32 to vector<128x128xi32>
        %eq3A_359 = arith.cmpi eq, %iota3A_125, %eq3A_358 : vector<128x128xi32>
        %eq3A_360 = arith.constant 3 : i32
        %eq3A_361 = vector.broadcast %eq3A_360 : i32 to vector<128x128xi32>
        %eq3A_362 = arith.cmpi eq, %iota3A_125, %eq3A_361 : vector<128x128xi32>
        %eq3A_363 = arith.constant 4 : i32
        %eq3A_364 = vector.broadcast %eq3A_363 : i32 to vector<128x128xi32>
        %eq3A_365 = arith.cmpi eq, %iota3A_125, %eq3A_364 : vector<128x128xi32>
        %jit3A_366 = arith.constant 0.000000e+00 : f32
        %broadcast_in_dim3A_367 = vector.broadcast %jit3A_366 : f32 to vector<128x128xf32>
        %select_n3A_368 = arith.select %eq3A_365, %transpose3A_242, %broadcast_in_dim3A_367 : vector<128x128xi1>, vector<128x128xf32>
        %select_n3A_369 = arith.select %eq3A_362, %transpose3A_230, %select_n3A_368 : vector<128x128xi1>, vector<128x128xf32>
        %select_n3A_370 = arith.select %eq3A_359, %transpose3A_224, %select_n3A_369 : vector<128x128xi1>, vector<128x128xf32>
        %select_n3A_371 = arith.select %eq3A_356, %transpose3A_218, %select_n3A_370 : vector<128x128xi1>, vector<128x128xf32>
        %select_n3A_372 = arith.select %eq3A_353, %transpose3A, %select_n3A_371 : vector<128x128xi1>, vector<128x128xf32>
        %dot_general3A_373 = arith.constant dense<0.000000e+00> : vector<128x128xf32>
        %dot_general3A_374 = tpu.matmul %select_n3A_350, %select_n3A_372, %dot_general3A_373 {dimension_numbers = #tpu.dot_dimension_numbers<[1], [0], [0], [1], [0, 0, 1, 1], [], []>, precision = #tpu.contract_precision<fp32>, transpose_lhs_hint = false} : vector<128x128xf32>, vector<128x128xf32>, vector<128x128xf32> -> vector<128x128xf32>
        %iota3A_375 = tpu.iota {dimensions = array<i32: 0>} : vector<128x128xi32>
        %ge3A = vector.broadcast %convert_element_type3A : i32 to vector<128x128xi32>
        %ge3A_376 = arith.cmpi sge, %iota3A_375, %ge3A : vector<128x128xi32>
        %broadcast_in_dim3A_377 = vector.shape_cast %select_n3A_169 : vector<1x128xf32> to vector<1x128xf32>
        %broadcast_in_dim3A_378 = vector.broadcast %broadcast_in_dim3A_377 : vector<1x128xf32> to vector<128x128xf32>
        %jit3A_379 = arith.constant 0.000000e+00 : f32
        %broadcast_in_dim3A_380 = vector.broadcast %jit3A_379 : f32 to vector<128x128xf32>
        %select_n3A_381 = arith.select %ge3A_376, %broadcast_in_dim3A_378, %broadcast_in_dim3A_380 : vector<128x128xi1>, vector<128x128xf32>
        %add3A_382 = arith.addf %dot_general3A_374, %select_n3A_381 : vector<128x128xf32>
        %swap3A_383 = arith.index_cast %scan3A_207 : i32 to index
        %swap3A_384 = arith.constant 0 : index
        %swap3A_385 = vector.load %arg9[%swap3A_383, %swap3A_384] : memref<1152x128xf32, #tpu.memory_space<vmem>>, vector<128x128xf32>
        tpu.vector_store %arg9[%swap3A_383, %swap3A_384], %add3A_382 {strides = array<i32>} : memref<1152x128xf32, #tpu.memory_space<vmem>>, vector<128x128xf32>,
      } else {
      }
      %add3A_322 = arith.constant 1 : i32
      %add3A_323 = arith.addi %scan3A_206, %add3A_322 : i32
      %while3A_324 = arith.constant 48 : i32
      %while3A_325 = arith.constant 0 : i32
      %while3A_326 = arith.subi %while3A_324, %add3A_323 : i32
      %while3A_327 = arith.addi %add3A_323, %while3A_326 : i32
      %while3A_328 = arith.constant 1 : i32
      %while3A_329 = arith.divsi %while3A_326, %while3A_328 : i32
      %while3A_330 = arith.muli %while3A_329, %while3A_328 : i32
      %while3A_331 = arith.addi %add3A_323, %while3A_330 : i32
      %while3A_332 = arith.constant 1 : i32
      %while3A_333 = scf.for %while3A_337 = %add3A_323 to %while3A_331 step %while3A_332 iter_args(%while3A_338 = %while3A_325) -> (i32)  : i32 {
        %lt3A_339 = arith.constant 1000 : i32
        %lt3A_340 = arith.cmpi slt, %scan3A_207, %lt3A_339 : i32
        %convert_element_type3A_341 = arith.extui %lt3A_340 : i1 to i32
        %cond3A_342 = arith.constant 0 : i32
        %cond3A_343 = arith.cmpi ne, %convert_element_type3A_341, %cond3A_342 : i32
        scf.if %cond3A_343 {
          %get3A_345 = arith.index_cast %while3A_337 : i32 to index
          %get3A_346 = arith.constant 0 : index
          %get3A_347 = vector.load %arg11[%get3A_345, %get3A_346] : memref<48x128xf32, #tpu.memory_space<vmem>>, vector<1x128xf32>
          %broadcast_in_dim3A_348 = vector.shape_cast %get3A_347 : vector<1x128xf32> to vector<1x128xf32>
          %broadcast_in_dim3A_349 = vector.broadcast %broadcast_in_dim3A_348 : vector<1x128xf32> to vector<128x128xf32>
          %max3A_350 = arith.maximumf %transpose3A, %broadcast_in_dim3A_349 : vector<128x128xf32>
          %get3A_351 = arith.index_cast %while3A_337 : i32 to index
          %get3A_352 = arith.constant 0 : index
          %get3A_353 = vector.load %arg12[%get3A_351, %get3A_352] : memref<48x128xf32, #tpu.memory_space<vmem>>, vector<1x128xf32>
          %broadcast_in_dim3A_354 = vector.shape_cast %get3A_353 : vector<1x128xf32> to vector<1x128xf32>
          %broadcast_in_dim3A_355 = vector.broadcast %broadcast_in_dim3A_354 : vector<1x128xf32> to vector<128x128xf32>
          %max3A_356 = arith.maximumf %transpose3A_218, %broadcast_in_dim3A_355 : vector<128x128xf32>
          %get3A_357 = arith.index_cast %while3A_337 : i32 to index
          %get3A_358 = arith.constant 0 : index
          %get3A_359 = vector.load %arg13[%get3A_357, %get3A_358] : memref<48x128xf32, #tpu.memory_space<vmem>>, vector<1x128xf32>
          %broadcast_in_dim3A_360 = vector.shape_cast %get3A_359 : vector<1x128xf32> to vector<1x128xf32>
          %broadcast_in_dim3A_361 = vector.broadcast %broadcast_in_dim3A_360 : vector<1x128xf32> to vector<128x128xf32>
          %min3A_362 = arith.minimumf %transpose3A_224, %broadcast_in_dim3A_361 : vector<128x128xf32>
          %get3A_363 = arith.index_cast %while3A_337 : i32 to index
          %get3A_364 = arith.constant 0 : index
          %get3A_365 = vector.load %arg14[%get3A_363, %get3A_364] : memref<48x128xf32, #tpu.memory_space<vmem>>, vector<1x128xf32>
          %broadcast_in_dim3A_366 = vector.shape_cast %get3A_365 : vector<1x128xf32> to vector<1x128xf32>
          %broadcast_in_dim3A_367 = vector.broadcast %broadcast_in_dim3A_366 : vector<1x128xf32> to vector<128x128xf32>
          %min3A_368 = arith.minimumf %transpose3A_230, %broadcast_in_dim3A_367 : vector<128x128xf32>
          %sub3A_369 = arith.subf %min3A_362, %max3A_350 : vector<128x128xf32>
          %add3A_370 = arith.constant 1.000000e+00 : f32
          %add3A_371 = vector.broadcast %add3A_370 : f32 to vector<128x128xf32>
          %add3A_372 = arith.addf %sub3A_369, %add3A_371 : vector<128x128xf32>
          %max3A_373 = arith.constant 0.000000e+00 : f32
          %max3A_374 = vector.broadcast %max3A_373 : f32 to vector<128x128xf32>
          %max3A_375 = arith.maximumf %max3A_374, %add3A_372 : vector<128x128xf32>
          %sub3A_376 = arith.subf %min3A_368, %max3A_356 : vector<128x128xf32>
          %add3A_377 = arith.constant 1.000000e+00 : f32
          %add3A_378 = vector.broadcast %add3A_377 : f32 to vector<128x128xf32>
          %add3A_379 = arith.addf %sub3A_376, %add3A_378 : vector<128x128xf32>
          %max3A_380 = arith.constant 0.000000e+00 : f32
          %max3A_381 = vector.broadcast %max3A_380 : f32 to vector<128x128xf32>
          %max3A_382 = arith.maximumf %max3A_381, %add3A_379 : vector<128x128xf32>
          %mul3A_383 = arith.mulf %max3A_375, %max3A_382 : vector<128x128xf32>
          %get3A_384 = arith.index_cast %while3A_337 : i32 to index
          %get3A_385 = arith.constant 0 : index
          %get3A_386 = vector.load %arg15[%get3A_384, %get3A_385] : memref<48x128xf32, #tpu.memory_space<vmem>>, vector<1x128xf32>
          %broadcast_in_dim3A_387 = vector.shape_cast %get3A_386 : vector<1x128xf32> to vector<1x128xf32>
          %broadcast_in_dim3A_388 = vector.broadcast %broadcast_in_dim3A_387 : vector<1x128xf32> to vector<128x128xf32>
          %add3A_389 = arith.addf %transpose3A_236, %broadcast_in_dim3A_388 : vector<128x128xf32>
          %sub3A_390 = arith.subf %add3A_389, %mul3A_383 : vector<128x128xf32>
          %div3A_391 = arith.divf %mul3A_383, %sub3A_390 : vector<128x128xf32>
          %gt3A_392 = arith.constant 0.699999988 : f32
          %gt3A_393 = vector.broadcast %gt3A_392 : f32 to vector<128x128xf32>
          %gt3A_394 = arith.cmpf ogt, %div3A_391, %gt3A_393 : vector<128x128xf32>
          %jit3A_395 = arith.constant 1.000000e+00 : f32
          %jit3A_396 = arith.constant 0.000000e+00 : f32
          %broadcast_in_dim3A_397 = vector.broadcast %jit3A_395 : f32 to vector<128x128xf32>
          %broadcast_in_dim3A_398 = vector.broadcast %jit3A_396 : f32 to vector<128x128xf32>
          %select_n3A_399 = arith.select %gt3A_394, %broadcast_in_dim3A_397, %broadcast_in_dim3A_398 : vector<128x128xi1>, vector<128x128xf32>
          %dot_general3A_400 = arith.constant dense<0.000000e+00> : vector<1x128xf32>
          %dot_general3A_401 = tpu.matmul %while3A_306#0, %select_n3A_399, %dot_general3A_400 {dimension_numbers = #tpu.dot_dimension_numbers<[1], [0], [0], [1], [0, 0, 1, 1], [], []>, transpose_lhs_hint = false} : vector<1x128xf32>, vector<128x128xf32>, vector<1x128xf32> -> vector<1x128xf32>
          %gt3A_402 = arith.constant 0.000000e+00 : f32
          %gt3A_403 = vector.broadcast %gt3A_402 : f32 to vector<1x128xf32>
          %gt3A_404 = arith.cmpf ogt, %dot_general3A_401, %gt3A_403 : vector<1x128xf32>
          %get3A_405 = arith.index_cast %while3A_337 : i32 to index
          %get3A_406 = arith.constant 0 : index
          %get3A_407 = vector.load %arg10[%get3A_405, %get3A_406] : memref<48x128xf32, #tpu.memory_space<vmem>>, vector<1x128xf32>
          %broadcast_in_dim3A_408 = vector.broadcast %scan3A : f32 to vector<1x128xf32>
          %select_n3A_409 = arith.select %gt3A_404, %broadcast_in_dim3A_408, %get3A_407 : vector<1x128xi1>, vector<1x128xf32>
          %swap3A_410 = arith.index_cast %while3A_337 : i32 to index
          %swap3A_411 = arith.constant 0 : index
          %swap3A_412 = vector.load %arg10[%swap3A_410, %swap3A_411] : memref<48x128xf32, #tpu.memory_space<vmem>>, vector<1x128xf32>
          tpu.vector_store %arg10[%swap3A_410, %swap3A_411], %select_n3A_409 {strides = array<i32>} : memref<48x128xf32, #tpu.memory_space<vmem>>, vector<1x128xf32>,
        } else {
        }
        %while3A_344 = arith.constant 0 : i32
        scf.yield %while3A_344 : i32
      }
      %while3A_334 = arith.constant 1 : i32
      %while3A_335 = scf.for %while3A_337 = %while3A_331 to %while3A_327 step %while3A_334 iter_args(%while3A_338 = %while3A_333) -> (i32)  : i32 {
        %lt3A_339 = arith.constant 1000 : i32
        %lt3A_340 = arith.cmpi slt, %scan3A_207, %lt3A_339 : i32
        %convert_element_type3A_341 = arith.extui %lt3A_340 : i1 to i32
        %cond3A_342 = arith.constant 0 : i32
        %cond3A_343 = arith.cmpi ne, %convert_element_type3A_341, %cond3A_342 : i32
        scf.if %cond3A_343 {
          %get3A_345 = arith.index_cast %while3A_337 : i32 to index
          %get3A_346 = arith.constant 0 : index
          %get3A_347 = vector.load %arg11[%get3A_345, %get3A_346] : memref<48x128xf32, #tpu.memory_space<vmem>>, vector<1x128xf32>
          %broadcast_in_dim3A_348 = vector.shape_cast %get3A_347 : vector<1x128xf32> to vector<1x128xf32>
          %broadcast_in_dim3A_349 = vector.broadcast %broadcast_in_dim3A_348 : vector<1x128xf32> to vector<128x128xf32>
          %max3A_350 = arith.maximumf %transpose3A, %broadcast_in_dim3A_349 : vector<128x128xf32>
          %get3A_351 = arith.index_cast %while3A_337 : i32 to index
          %get3A_352 = arith.constant 0 : index
          %get3A_353 = vector.load %arg12[%get3A_351, %get3A_352] : memref<48x128xf32, #tpu.memory_space<vmem>>, vector<1x128xf32>
          %broadcast_in_dim3A_354 = vector.shape_cast %get3A_353 : vector<1x128xf32> to vector<1x128xf32>
          %broadcast_in_dim3A_355 = vector.broadcast %broadcast_in_dim3A_354 : vector<1x128xf32> to vector<128x128xf32>
          %max3A_356 = arith.maximumf %transpose3A_218, %broadcast_in_dim3A_355 : vector<128x128xf32>
          %get3A_357 = arith.index_cast %while3A_337 : i32 to index
          %get3A_358 = arith.constant 0 : index
          %get3A_359 = vector.load %arg13[%get3A_357, %get3A_358] : memref<48x128xf32, #tpu.memory_space<vmem>>, vector<1x128xf32>
          %broadcast_in_dim3A_360 = vector.shape_cast %get3A_359 : vector<1x128xf32> to vector<1x128xf32>
          %broadcast_in_dim3A_361 = vector.broadcast %broadcast_in_dim3A_360 : vector<1x128xf32> to vector<128x128xf32>
          %min3A_362 = arith.minimumf %transpose3A_224, %broadcast_in_dim3A_361 : vector<128x128xf32>
          %get3A_363 = arith.index_cast %while3A_337 : i32 to index
          %get3A_364 = arith.constant 0 : index
          %get3A_365 = vector.load %arg14[%get3A_363, %get3A_364] : memref<48x128xf32, #tpu.memory_space<vmem>>, vector<1x128xf32>
          %broadcast_in_dim3A_366 = vector.shape_cast %get3A_365 : vector<1x128xf32> to vector<1x128xf32>
          %broadcast_in_dim3A_367 = vector.broadcast %broadcast_in_dim3A_366 : vector<1x128xf32> to vector<128x128xf32>
          %min3A_368 = arith.minimumf %transpose3A_230, %broadcast_in_dim3A_367 : vector<128x128xf32>
          %sub3A_369 = arith.subf %min3A_362, %max3A_350 : vector<128x128xf32>
          %add3A_370 = arith.constant 1.000000e+00 : f32
          %add3A_371 = vector.broadcast %add3A_370 : f32 to vector<128x128xf32>
          %add3A_372 = arith.addf %sub3A_369, %add3A_371 : vector<128x128xf32>
          %max3A_373 = arith.constant 0.000000e+00 : f32
          %max3A_374 = vector.broadcast %max3A_373 : f32 to vector<128x128xf32>
          %max3A_375 = arith.maximumf %max3A_374, %add3A_372 : vector<128x128xf32>
          %sub3A_376 = arith.subf %min3A_368, %max3A_356 : vector<128x128xf32>
          %add3A_377 = arith.constant 1.000000e+00 : f32
          %add3A_378 = vector.broadcast %add3A_377 : f32 to vector<128x128xf32>
          %add3A_379 = arith.addf %sub3A_376, %add3A_378 : vector<128x128xf32>
          %max3A_380 = arith.constant 0.000000e+00 : f32
          %max3A_381 = vector.broadcast %max3A_380 : f32 to vector<128x128xf32>
          %max3A_382 = arith.maximumf %max3A_381, %add3A_379 : vector<128x128xf32>
          %mul3A_383 = arith.mulf %max3A_375, %max3A_382 : vector<128x128xf32>
          %get3A_384 = arith.index_cast %while3A_337 : i32 to index
          %get3A_385 = arith.constant 0 : index
          %get3A_386 = vector.load %arg15[%get3A_384, %get3A_385] : memref<48x128xf32, #tpu.memory_space<vmem>>, vector<1x128xf32>
          %broadcast_in_dim3A_387 = vector.shape_cast %get3A_386 : vector<1x128xf32> to vector<1x128xf32>
          %broadcast_in_dim3A_388 = vector.broadcast %broadcast_in_dim3A_387 : vector<1x128xf32> to vector<128x128xf32>
          %add3A_389 = arith.addf %transpose3A_236, %broadcast_in_dim3A_388 : vector<128x128xf32>
          %sub3A_390 = arith.subf %add3A_389, %mul3A_383 : vector<128x128xf32>
          %div3A_391 = arith.divf %mul3A_383, %sub3A_390 : vector<128x128xf32>
          %gt3A_392 = arith.constant 0.699999988 : f32
          %gt3A_393 = vector.broadcast %gt3A_392 : f32 to vector<128x128xf32>
          %gt3A_394 = arith.cmpf ogt, %div3A_391, %gt3A_393 : vector<128x128xf32>
          %jit3A_395 = arith.constant 1.000000e+00 : f32
          %jit3A_396 = arith.constant 0.000000e+00 : f32
          %broadcast_in_dim3A_397 = vector.broadcast %jit3A_395 : f32 to vector<128x128xf32>
          %broadcast_in_dim3A_398 = vector.broadcast %jit3A_396 : f32 to vector<128x128xf32>
          %select_n3A_399 = arith.select %gt3A_394, %broadcast_in_dim3A_397, %broadcast_in_dim3A_398 : vector<128x128xi1>, vector<128x128xf32>
          %dot_general3A_400 = arith.constant dense<0.000000e+00> : vector<1x128xf32>
          %dot_general3A_401 = tpu.matmul %while3A_306#0, %select_n3A_399, %dot_general3A_400 {dimension_numbers = #tpu.dot_dimension_numbers<[1], [0], [0], [1], [0, 0, 1, 1], [], []>, transpose_lhs_hint = false} : vector<1x128xf32>, vector<128x128xf32>, vector<1x128xf32> -> vector<1x128xf32>
          %gt3A_402 = arith.constant 0.000000e+00 : f32
          %gt3A_403 = vector.broadcast %gt3A_402 : f32 to vector<1x128xf32>
          %gt3A_404 = arith.cmpf ogt, %dot_general3A_401, %gt3A_403 : vector<1x128xf32>
          %get3A_405 = arith.index_cast %while3A_337 : i32 to index
          %get3A_406 = arith.constant 0 : index
          %get3A_407 = vector.load %arg10[%get3A_405, %get3A_406] : memref<48x128xf32, #tpu.memory_space<vmem>>, vector<1x128xf32>
          %broadcast_in_dim3A_408 = vector.broadcast %scan3A : f32 to vector<1x128xf32>
          %select_n3A_409 = arith.select %gt3A_404, %broadcast_in_dim3A_408, %get3A_407 : vector<1x128xi1>, vector<1x128xf32>
          %swap3A_410 = arith.index_cast %while3A_337 : i32 to index
          %swap3A_411 = arith.constant 0 : index
          %swap3A_412 = vector.load %arg10[%swap3A_410, %swap3A_411] : memref<48x128xf32, #tpu.memory_space<vmem>>, vector<1x128xf32>
          tpu.vector_store %arg10[%swap3A_410, %swap3A_411], %select_n3A_409 {strides = array<i32>} : memref<48x128xf32, #tpu.memory_space<vmem>>, vector<1x128xf32>,
        } else {
        }
        %while3A_344 = arith.constant 0 : i32
        scf.yield %while3A_344 : i32
      }
      %add3A_336 = arith.addi %scan3A_207, %convert_element_type3A : i32
      scf.yield %add3A_336 : i32
    }
    %scan3A_205 = arith.constant 48 : i32
    return
  }
}

</mosaic_0001>

<sc_bundles>
// kernel: gather_offload_async_start.1
scs
__scs_entry_jumppad:
0x0: {  	(pc) =	sbr.rel $0x88, $3  }
0x1: {  	(tag) =	ssettag $0x0;
	lr =	simm.s32 $0x1  }
0x2: {  	[smem:$0x3F9A] =	sst lr;
	_ =	strace $0xD0000000  }
0x3: {  	_ = 	snop  }
0x4: {  	_ = 	snop  }
0x5: {  	_ = 	snop  }
0x6: {  	_ = 	snop  }
0x7: {  	_ = 	snop  }
__scs_overlays_trampoline_lowered:
0x8: {  	[smem:$0x3FA9] =	sst s0  }
0x9: {  	[smem:$0x3FAA] =	sst s1  }
0xa: {  	[smem:$0x3FAB] =	sst s2  }
0xb: {  	[smem:$0x3FAC] =	sst s3  }
0xc: {  	[smem:$0x3FAD] =	sst s4  }
0xd: {  	[smem:$0x3FAE] =	sst s5  }
0xe: {  	[smem:$0x3FAF] =	sst s6  }
0xf: {  	[smem:$0x3FB0] =	sst s7  }
0x10: {  	[smem:$0x3FB1] =	sst s8  }
0x11: {  	[smem:$0x3FB2] =	sst s9;
	s0 =	simm.s32 @!p0 $0x0  }
0x12: {  	s1 =	sld [smem:$0x3F98];
	s0 =	simm.s32 @p0 $0x1  }
0x13: {  	[smem:$0x3FB3] =	sst s0;
	s0 =	simm.s32 @!p1 $0x0  }
0x14: {  	s2 =	sld [smem:$0x3F97];
	s0 =	simm.s32 @p1 $0x1  }
0x15: {  	[smem:$0x3FB4] =	sst s0;
	s0 =	simm.s32 @!p2 $0x0  }
0x16: {  	s3 =	sld [smem:$0x3FDB];
	s0 =	simm.s32 @p2 $0x1  }
0x17: {  	s4 =	simm.s32 $0x1BF5;
	[smem:$0x3FB6] =	sst s0  }
0x18: {  	s0 =	sld [smem:$0x3F99];
	_ =	swait.ge [sflag:s4], $0x0  }
0x19: {  	s7 =	sld [smem:$0x3F9A]  }
0x1a: {  	s8 =	sadd.s32 $0xFFFFE003, lr  }
0x1b: {  	s9 =	sadd.s32 $0xFFFFFEF7, lr;
	s5 =	simm.s32 $0xFFFFFFFF;
	p2 =	slt.u32 s8, $0xFFFFF086  }
0x1c: {  	p1 =	slt.u32 s9, $0xF7A;
	s5 =	simm.s32 @!p2 $0x0  }
0x1d: {  	s5 =	simm.s32 @p1 $0x1;
	p0 =	seq.s32 s7, s2  }
0x1e: {  	s7 =	smul.u32 @!p0 $0xF7A, s2;
	p2 =	seq.s32 @!p0 s5, $0x0  }
0x1f: {  	s9 =	smul.u32 $0xF7A, s1;
	s8 =	simm.s32 @!p0 $0x1BF5;
	p2 =	por !p2, p0  }
0x20: {  	[sflag:s8] =	ssyncset.s32 @!p0 $0xFFFFF086;
	s6 =	sadd.s32 @!p0 s3, s7;
	s7 =	simm.s32 @!p0 $0x108  }
0x21: {  	s3 =	sadd.s32 s3, s9;
	s6 =	sadd.s32 @!p0 $0x88, s6;
	s7 =	simm.s32 @p2 $0x1082  }
0x22: {  	[simem:s7], [sflag:s8] =	dma.local @!p0 [hbm:s6], $0xF7A  }
0x23: {  	s9 =	sor.u32 $0xD0000000, s2;
	s6 =	simm.s32 $0x108;
	_ =	swait.ge @!p0 [sflag:s8], $0x0  }
0x24: {  	s3 =	sadd.s32 $0x88, s3;
	s6 =	simm.s32 @!p1 $0x1082;
	[sflag:s4] =	ssyncset.s32 $0xFFFFF086  }
0x25: {  	[simem:s6], [sflag:s4] =	dma.local [hbm:s3], $0xF7A  }
0x26: {  	[smem:$0x3F9A] =	sst s1;
	(tag) =	ssettag s2;
	_ =	strace s9  }
0x27: {  	s1 =	sld [smem:$0x3FAA]  }
0x28: {  	s2 =	sld [smem:$0x3FAB]  }
0x29: {  	s4 =	sld [smem:$0x3FAD]  }
0x2a: {  	p0 =	seq.s32 s5, $0x0;
	s5 =	sld [smem:$0x3FAE]  }
0x2b: {  	s6 =	sld [smem:$0x3FAF]  }
0x2c: {  	s7 =	sld [smem:$0x3FB0]  }
0x2d: {  	s3 =	simm.s32 $0x108;
	s8 =	sld [smem:$0x3FB1]  }
0x2e: {  	s3 =	simm.s32 @!p0 $0x1082;
	s9 =	sld [smem:$0x3FB2]  }
0x2f: {  	lr =	sadd.s32 s0, s3;
	s0 =	sld [smem:$0x3FA9]  }
0x30: {  	s3 =	sld [smem:$0x3FAC]  }
0x31: {  	[smem:$0x3FB5] =	sst s10  }
0x32: {  	s10 =	sld [smem:$0x3FB3];
	_ =	sdelay $0x3  }
0x33: {  	p0 =	seq.s32 s10, $0x1;
	s10 =	sld [smem:$0x3FB5];
	_ =	sdelay $0x3  }
0x34: {  	[smem:$0x3FB5] =	sst s10  }
0x35: {  	s10 =	sld [smem:$0x3FB4];
	_ =	sdelay $0x3  }
0x36: {  	p1 =	seq.s32 s10, $0x1;
	s10 =	sld [smem:$0x3FB5];
	_ =	sdelay $0x3  }
0x37: {  	[smem:$0x3FB5] =	sst s10  }
0x38: {  	s10 =	sld [smem:$0x3FB6]  }
0x39: {  	_ = 	snop;
	(pc) =	sbr.ind lr, $3  }
0x3a: {  	_ = 	snop  }
0x3b: {  	_ = 	snop  }
0x3c: {  	p2 =	seq.s32 s10, $0x1;
	s10 =	sld [smem:$0x3FB5]  }
0x3d: {  	_ =	shalt  }
0x3e: {  	_ =	shalt  }
0x3f: {  	_ =	shalt  }
0x40: {  	_ =	shalt  }
0x41: {  	_ =	shalt  }
0x42: {  	_ =	shalt  }
0x43: {  	_ =	shalt  }
0x44: {  	_ =	shalt  }
0x45: {  	_ =	shalt  }
0x46: {  	_ =	shalt  }
0x47: {  	_ =	shalt  }
0x48: {  	_ =	shalt  }
0x49: {  	_ =	shalt  }
0x4a: {  	_ =	shalt  }
0x4b: {  	_ =	shalt  }
0x4c: {  	_ =	shalt  }
0x4d: {  	_ =	shalt  }
0x4e: {  	_ =	shalt  }
0x4f: {  	_ =	shalt  }
0x50: {  	_ =	shalt  }
0x51: {  	_ =	shalt  }
0x52: {  	_ =	shalt  }
0x53: {  	_ =	shalt  }
0x54: {  	_ =	shalt  }
0x55: {  	_ =	shalt  }
0x56: {  	_ =	shalt  }
0x57: {  	_ =	shalt  }
0x58: {  	_ =	shalt  }
0x59: {  	_ =	shalt  }
0x5a: {  	_ =	shalt  }
0x5b: {  	_ =	shalt  }
0x5c: {  	_ =	shalt  }
0x5d: {  	_ =	shalt  }
0x5e: {  	_ =	shalt  }
0x5f: {  	_ =	shalt  }
0x60: {  	_ =	shalt  }
0x61: {  	_ =	shalt  }
0x62: {  	_ =	shalt  }
0x63: {  	_ =	shalt  }
0x64: {  	_ =	shalt  }
0x65: {  	_ =	shalt  }
0x66: {  	_ =	shalt  }
0x67: {  	_ =	shalt  }
0x68: {  	_ =	shalt  }
0x69: {  	_ =	shalt  }
0x6a: {  	_ =	shalt  }
0x6b: {  	_ =	shalt  }
0x6c: {  	_ =	shalt  }
0x6d: {  	_ =	shalt  }
0x6e: {  	_ =	shalt  }
0x6f: {  	_ =	shalt  }
0x70: {  	_ =	shalt  }
0x71: {  	_ =	shalt  }
0x72: {  	_ =	shalt  }
0x73: {  	_ =	shalt  }
0x74: {  	_ =	shalt  }
0x75: {  	_ =	shalt  }
0x76: {  	_ =	shalt  }
0x77: {  	_ =	shalt  }
0x78: {  	_ =	shalt  }
0x79: {  	_ =	shalt  }
0x7a: {  	_ =	shalt  }
0x7b: {  	_ =	shalt  }
0x7c: {  	_ =	shalt  }
0x7d: {  	_ =	shalt  }
0x7e: {  	_ =	shalt  }
0x7f: {  	_ =	shalt  }
0x80: {  	_ =	shalt  }
0x81: {  	_ =	shalt  }
0x82: {  	_ =	shalt  }
0x83: {  	_ =	shalt  }
0x84: {  	_ =	shalt  }
0x85: {  	_ =	shalt  }
0x86: {  	_ =	shalt  }
0x87: {  	_ =	shalt  }
.Lfunc_end0:
.L_simem_size_0:
called_computation.1_lowered:
.L_overlay_start_0:
0x88: {  	s0 =	sld [smem:$0x3FD9]  }
0x89: {  	s1 =	sld [smem:$0x3FFE];
	_ =	sdelay $0x3  }
0x8a: {  	s0 =	sadd.s32 s1, s0  }
0x8b: {  	[smem:$0x3FC1] =	sst s0  }
0x8c: {  	_ = 	snop  }
0x8d: {  	s0 =	sld [smem:$0x3FD0];
	(tm) =	ssettm $0x1  }
0x8e: {  	s16 =	sld [smem:$0x3FFB];
	_ =	sdelay $0x3  }
0x8f: {  	_ =	strace s16  }
0x90: {  	s1 =	sld [smem:$0x3FFC];
	_ =	sdelay $0x3  }
0x91: {  	_ =	strace s1  }
0x92: {  	s1 =	sld [smem:$0x3FFD];
	_ =	sdelay $0x3  }
0x93: {  	_ =	strace s1  }
0x94: {  	_ =	strace $0x8FFFFFFF  }
0x95: {  	s17 =	sld [smem:$0x3FDB];
	_ =	sdelay $0x1  }
0x96: {  	s2 =	simm.s32 $_scs_section_size  }
0x97: {  	s3 =	simm.s32 $_size__tile_overlayer_lowered;
	s4 =	simm.s32 $_tile_overlayer_lowered  }
0x98: {  	s20 =	simm.s32 $0x1BFF;
	s19 =	sshll.u32 s4, $0x1;
	s1 =	sadd.s32 s2, s17  }
0x99: {  	s5 =	simm.s32 $0x0;
	s18 =	sshll.u32 s3, $0x1;
	s3 =	sadd.s32 s19, s1  }
0x9a: {  	[timem:s5], [sflag:s20] =	dma.local [hbm:s3], s18  }
0x9b: {  	_ =	swait.ge [sflag:s20], s18  }
0x9c: {  	s2 =	ssub.s32 $0x0, s18;
	[sflag:s20] =	ssyncset.done $0x0  }
0x9d: {  	[sflag:s20] =	ssyncadd.s32 s2;
	_ =	sdelay $0x1  }
0x9e: {  	s21 =	simm.s32 $0x1B8B  }
0x9f: {  	_ =	swait.ge [sflag:s21], $0x1  }
0xa0: {  	[sflag:s21] =	ssyncset.done $0x0  }
0xa1: {  	s23 =	simm.s32 $0x1B8E;
	s22 =	sld [smem:$0x3FFE];
	[sflag:s21] =	ssyncadd.s32 $0xFFFFFFFF  }
0xa2: {  	s24 =	simm.s32 $execute0_lowered;
	[smem:$0x3FD2] =	sst s23  }
0xa3: {  	s3 =	sshll.u32 s24, $0x1;
	_ =	strace $0x80000049;
	[dreg:$0x1] =	wrdreg $0xFFFFFFFF  }
0xa4: {  	s25 =	simm.s32 $_size_execute0_lowered;
	s1 =	sadd.s32 s1, s3;
	[dreg:$0x0] =	wrdreg $0x0  }
0xa5: {  	s3 =	sshll.u32 s25, $0x1;
	[dreg:$0x2] =	wrdreg s1  }
0xa6: {  	[dreg:$0x3] =	wrdreg s3  }
0xa7: {  	[dreg:$0x4] =	wrdreg $0xC0  }
0xa8: {  	_ =	task [dreg:s5], $0x5FFFF  }
0xa9: {  	[dreg:$0x1] =	wrdreg $0xFFFFFFFF  }
0xaa: {  	[dreg:$0x0] =	wrdreg $0x60  }
0xab: {  	[dreg:$0x2] =	wrdreg s22  }
0xac: {  	[dreg:$0x3] =	wrdreg s0  }
0xad: {  	[dreg:$0x4] =	wrdreg $0x9  }
0xae: {  	_ =	task.clear_ibuf [dreg:s5], $0x5FFFF;
	_ =	strace $0x90000049  }
0xaf: {  	s26 =	simm.s32 $0x9;
	_ =	strace $0x8000004B  }
0xb0: {  	_ =	swait.ge [sflag:s26], $0x1  }
0xb1: {  	[sflag:s26] =	ssyncadd.s32 $0xFFFFFFFF  }
0xb2: {  	_ =	strace $0x9000004B  }
0xb3: {  	_ =	sfence  }
0xb4: {  	s28 =	sld [smem:$0x0];
	_ =	sdelay $0x1  }
0xb5: {  	s29 =	srdreg.scid  }
0xb6: {  	s30 =	sshll.u32 s29, $0xD;
	s31 =	sshrl.u32 s29, $0x2  }
0xb7: {  	s2 =	sand.u32 $0x4000, s30;
	s1 =	sand.u32 $0x1, s29;
	s0 =	sadd.s32 s31, s28  }
0xb8: {  	s1 =	sor.u32 s2, s1;
	s0 =	sshll.u32 s0, $0x11  }
0xb9: {  	s0 =	sor.u32 s0, s1  }
0xba: {  	s0 =	sadd.s32 $0x8F2B, s0  }
0xbb: {  	[sflag:s0] =	ssyncadd.remote.s32 $0x1  }
0xbc: {  	_ =	sfence.sel $0xFFFF  }
0xbd: {  	[dreg:$0x0] =	wrdreg $0xFFFFFFFF;
	(pc) =	sbr.abs _section_cstart, $3  }
0xbe: {  	[dreg:$0x1] =	wrdreg $0xFFFFFFFF  }
0xbf: {  	_ =	task.clear_ibuf [dreg:s5], $0x2FFFF;
	_ =	strace $0x9FFFFFFF  }
0xc0: {  	(tm) =	ssettm $0x7FFFFFFF  }
0xc1: {  	_ =	shalt  }
tec
execute0_lowered:
.L_overlay_start_1:
0x0: {  	(tag) =	ssettag $0x1  }
0x1: {  	s0 =	stileid.u32  }
0x2: {  	s1 =	smin.u32 s0, $0xE  }
0x3: {  	s1 =	sadd.s32 s0, s1  }
0x4: {  	s2 =	simm.s32 $0x190;
	p0 =	slt.u32 s0, $0xE;
	s1 =	smul.u32 $0xC8, s1  }
0x5: {  	s2 =	simm.s32 @!p0 $0xC8  }
0x6: {  	s2 =	sadd.s32 s2, s1  }
0x7: {  	s3 =	smin.u32 s2, $0x1770  }
0x8: {  	s7 =	ssub.s32 s3, s1  }
0x9: {  	p0 =	sgt.s32 s7, $0x0  }
0xa: {  	s7 =	simm.s32 @!p0 $0x0  }
0xb: {  	s31 =	sand.u32 $0xFFF8, s7  }
0xc: {  	s2 =	sshrl.u32 s31, $0x3  }
0xd: {  	s4 =	rddreg [dreg:$0x0];
	s2 =	smul.u32 $0x147B, s2  }
0xe: {  	s5 =	rddreg [dreg:$0x1]  }
0xf: {  	s6 =	simm.s32 $0x1;
	s10 =	simm.s32 $0x3;
	s8 =	sshrl.u32 s2, $0x11  }
0x10: {  	s13 =	simm.s32 $0x0;
	s12 =	simm.s32 $0x0;
	s9 =	smul.u32 $0xC8, s8  }
.Ltmp0:
0x11: {  	s11 =	smov.u32 s1;
	s2 =	rddreg [dreg:$0x2];
	(pc) =	sbr.rel .LBB2_1-.Ltmp0, $4  }
0x12: {  	_ =	strace $0x8000004A;
	p0 =	sne.s32 s7, s9;
	s9 =	simm.s32 $0x1  }
0x13: {  	[sflag:s6] =	ssyncpa.u1 $0x0;
	s7 =	simm.s32 $0x2;
	s9 =	simm.s32 @!p0 $0x0  }
0x14: {  	[sflag:s7] =	ssyncpa.u1 $0x0;
	p0 =	por $0x0, $0x0;
	s8 =	sadd.s32 s8, s9  }
0x15: {  	vm0 =	vmmov $0xff;
	vm1 =	vcmask $0x3F20;
	s9 =	sadd.s32 $0x3B600, s4;
	[sflag:s10] =	ssyncpa.u1 $0x0;
	s10 =	sadd.s32 $0x1, s8  }
.LBB2_6:
0x16: {  	[hbm:s17] =	stream.linear.scatter [tilespmem:s14], [sflag:$0x3], $0x400, $0x38;
	[tilespmem:$0xC990] =	vst v63  }
.LBB2_7:
0x17: {  	s13 =	sadd.s32 $0xC8, s11  }
0x18: {  	s15 =	smov.u32 s1;
	p2 =	slt.s32 s13, s3  }
0x19: {  	s15 =	smov.u32 @p2 s13;
	p2 =	sne.s32 s12, s10  }
.Ltmp1:
0x1a: {  	p1 =	slt.u32 s12, $0x2;
	(pc) =	sbr.rel @!p2 .LBB2_8-.Ltmp1, $4  }
0x1b: {  	s14 =	simm.s32 @!p1 $0x3  }
0x1c: {  	s16 =	sadd.s32 $0x1, s12;
	_ =	swait.ge @!p1 [sflag:s14], $0x6400  }
0x1d: {  	p0 =	por !p0, !p0;
	s13 =	smov.u32 s11;
	[sflag:s14] =	ssyncset.done @!p1 $0x0  }
0x1e: {  	s12 =	smov.u32 s16;
	s11 =	smov.u32 s15;
	[sflag:s14] =	ssyncadd.s32 @!p1 $0xFFFF9C00  }
.LBB2_1:
0x1f: {  	p1 =	sge.u32 s12, s8  }
0x20: {  	s14 =	sxor.u32 @!p1 $0xFFFFFFFF, s12  }
0x21: {  	s14 =	sand.u32 @!p1 $0x1, s14  }
0x22: {  	s14 =	smul.u32 @!p1 $0x320, s14  }
0x23: {  	s31 =	sadd.s32 $0xFFFFFFFF, s12;
	s15 =	sshrl.u32 @!p1 s11, $0x3  }
0x24: {  	s16 =	sand.u32 @!p1 $0x7, s11;
	s15 =	sadd.s32 @!p1 s5, s15;
	s14 =	sshrl.u32 @!p1 s14, $0x2  }
0x25: {  	[tilespmem:s14], [sflag:$0x2] =	stream.linear.gather @!p1 [hbm4b:s15+s16], $0xC8, $0x38;
	[tilespmem:$0xC990] =	vst v63  }
0x26: {  	p1 =	sge.u32 s31, s8  }
.Ltmp2:
0x27: {  	_ = 	snop;
	(pc) =	sbr.rel @p1 .LBB2_7-.Ltmp2, $1  }
0x28: {  	_ =	sdelay $0x3  }
0x29: {  	s14 =	simm.s32 $0x1  }
0x2a: {  	s14 =	simm.s32 @!p0 $0x0  }
0x2b: {  	s15 =	smul.u32 $0x320, s14  }
0x2c: {  	_ =	swait.ge [sflag:s7], $0xC8  }
0x2d: {  	[sflag:s7] =	ssyncset.done $0x0;
	s16 =	sshrl.u32 s15, $0x2  }
0x2e: {  	[sflag:s7] =	ssyncadd.s32 $0xFFFFFF38;
	s15 =	sadd.s32 $0x0, s16  }
0x2f: {  	v0 =	vld.msk [tilespmem:s15+$0x0 ss:$0x1], $0xffff;
	_ =	sdelay $0x4  }
0x30: {  	vm2 =	vgt.s32 v0, $0x0  }
0x31: {  	v0 =	vnsel vm2, $0x0, v0  }
0x32: {  	v0 =	vmin.u32 v0, $0x3B5F  }
0x33: {  	v0 =	vshll.u32 v0, $0x4  }
0x34: {  	s14 =	smul.u32 $0x19000, s14  }
0x35: {  	s31 =	sand.u32 $0x1, s12  }
0x36: {  	s17 =	smul.u32 $0x320, s31;
	s14 =	sshrl.u32 s14, $0x2  }
0x37: {  	s19 =	smul.u32 $0x19000, s31;
	s14 =	sor.u32 $0x190, s14  }
0x38: {  	[tilespmem:s14], [sflag:$0x1] =	stream.indirect_vreg.gather [hbm:s9], $0x80, v0, vm0, $0x38;
	[tilespmem:$0xC990] =	vst v63  }
0x39: {  	s18 =	sshrl.u32 s17, $0x2;
	s20 =	sadd.s32 $0x10, s16;
	s15 =	sadd.s32 $0x400, s14  }
0x3a: {  	[tilespmem:s15], [sflag:$0x1] =	stream.indirect_vreg.gather [hbm:s9], $0x80, v0, vm1, $0x38;
	[tilespmem:$0xC990] =	vst v63  }
0x3b: {  	s17 =	sshrl.u32 s19, $0x2;
	s19 =	smov.u32 s14;
	v0 =	vld.msk [tilespmem:s20+$0x0 ss:$0x1], $0xffff;
	s20 =	simm.s32 $0x80  }
.LBB2_3:
0x3c: {  	p1 =	sne.s32 s20, $0x2C0;
	_ =	sdelay $0x4  }
0x3d: {  	vm2 =	vgt.s32 v0, $0x0  }
0x3e: {  	v0 =	vnsel vm2, $0x0, v0  }
0x3f: {  	v0 =	vmin.u32 v0, $0x3B5F  }
0x40: {  	v0 =	vshll.u32 v0, $0x4;
	_ =	sdelay $0x3  }
.Ltmp3:
0x41: {  	s21 =	sshra.s32 s20, $0x2;
	s19 =	sadd.s32 $0x800, s19;
	(pc) =	sbr.rel @p1 .LBB2_3-.Ltmp3, $4  }
0x42: {  	[tilespmem:s19], [sflag:$0x1] =	stream.indirect_vreg.gather [hbm:s9], $0x80, v0, vm0, $0x38;
	[tilespmem:$0xC990] =	vst v63  }
0x43: {  	s21 =	sadd.s32 s21, s16;
	s22 =	sadd.s32 $0x400, s19  }
0x44: {  	[tilespmem:s22], [sflag:$0x1] =	stream.indirect_vreg.gather [hbm:s9], $0x80, v0, vm1, $0x38;
	[tilespmem:$0xC990] =	vst v63  }
0x45: {  	s20 =	sadd.s32 $0x40, s20;
	v0 =	vld.msk [tilespmem:s21+$0x0 ss:$0x1], $0xffff  }
0x46: {  	_ =	sdelay $0x3  }
0x47: {  	vm2 =	vgt.s32 v0, $0x0  }
0x48: {  	v0 =	vnsel vm2, $0x0, v0  }
0x49: {  	v0 =	vmin.u32 v0, $0x3B5F  }
0x4a: {  	v0 =	vshll.u32 v0, $0x4;
	_ =	sdelay $0x3  }
0x4b: {  	s16 =	sadd.s32 $0x800, s19  }
0x4c: {  	[tilespmem:s16], [sflag:$0x1] =	stream.indirect_vreg.gather [hbm:s9], $0x80, v0, vm0, $0x38;
	[tilespmem:$0xC990] =	vst v63  }
0x4d: {  	s16 =	sadd.s32 $0x400, s16  }
0x4e: {  	[tilespmem:s16], [sflag:$0x1] =	stream.indirect_vreg.gather [hbm:s9], $0x80, v0, vm1, $0x38;
	[tilespmem:$0xC990] =	vst v63  }
0x4f: {  	v0 =	vld.msk [tilespmem:s18+$0xC0 ss:$0x1], $0xff;
	_ =	sdelay $0x4  }
0x50: {  	vm2 =	vgt.s32 v0, $0x0  }
0x51: {  	v0 =	vnsel vm2, $0x0, v0  }
0x52: {  	v0 =	vmin.u32 v0, $0x3B5F  }
0x53: {  	v0 =	vshll.u32 v0, $0x4;
	_ =	sdelay $0x3  }
0x54: {  	s31 =	sadd.s32 $0x6190, s17  }
0x55: {  	[tilespmem:s31], [sflag:$0x1] =	stream.indirect_vreg.gather [hbm:s9], $0x80, v0, vm0, $0x38;
	[tilespmem:$0xC990] =	vst v63  }
0x56: {  	s13 =	sshll.u32 s13, $0x4;
	_ =	swait.ge [sflag:s6], $0x6400  }
0x57: {  	s13 =	sadd.s32 s13, s4;
	[sflag:s6] =	ssyncset.done $0x0  }
0x58: {  	s17 =	sadd.s32 $0x0, s13;
	s16 =	simm.s32 $0x80;
	[sflag:s6] =	ssyncadd.s32 $0xFFFF9C00  }
.LBB2_5:
0x59: {  	[hbm:s17] =	stream.linear.scatter [tilespmem:s14], [sflag:$0x3], $0x400, $0x38;
	[tilespmem:$0xC990] =	vst v63  }
0x5a: {  	s17 =	smov.u32 s16;
	s14 =	smov.u32 s15;
	p1 =	sne.s32 s16, $0xC00  }
.Ltmp4:
0x5b: {  	s16 =	sadd.s32 $0x80, s16;
	(pc) =	sbr.rel @p1 .LBB2_5-.Ltmp4, $2  }
0x5c: {  	_ =	sdelay $0x2  }
0x5d: {  	s15 =	sadd.s32 $0x400, s15;
	s17 =	sadd.s32 s17, s13  }
.Ltmp5:
0x5e: {  	_ = 	snop;
	(pc) =	sbr.rel .LBB2_6-.Ltmp5, $1  }
0x5f: {  	_ =	sdelay $0x3  }
.LBB2_8:
0x60: {  	_ =	sfence.sel $0x180000  }
0x61: {  	s1 =	simm.s32 $0x2;
	[bflag:$0x0] =	sbarrier.arrive $0xFFFF  }
0x62: {  	s30 =	simm.s32 $0x3;
	[sflag:s1] =	ssyncpa.u1 $0x1  }
0x63: {  	s31 =	simm.s32 $0x1;
	[sflag:s30] =	ssyncpa.u1 $0x1  }
0x64: {  	[sflag:s31] =	ssyncpa.u1 $0x1  }
0x65: {  	p0 =	sne.s32 s0, $0x0;
	_ =	strace $0x9000004A  }
0x66: {  	s0 =	sadd.s32 @!p0 $0x100000, s2;
	[bflag:$0x2] =	sbarrier.arrive $0xFFFF  }
0x67: {  	[sflag:s0] =	ssyncadd.tile.s32 @!p0 $0x1;
	_ =	shalt  }
.Lfunc_end2:
_tile_overlayer_lowered:
.L_overlay_start_2:
0x68: {  	(tag) =	ssettag $0x2  }
0x69: {  	s0 =	rddreg [dreg:$0x0];
	s2 =	stileid.u32  }
0x6a: {  	s1 =	rddreg [dreg:$0x1];
	p0 =	sne.s32 s2, $0x0  }
0x6b: {  	s3 =	rddreg [dreg:$0x2];
	[bflag:$0x3] =	sbarrier.arrive $0xFFFF;
	s2 =	simm.s32 @!p0 $0x1C01  }
0x6c: {  	[timem:s3], [sflag:s2] =	dma.local @!p0 [hbm:s0], s1  }
0x6d: {  	s0 =	simm.s32 @!p0 $0x1  }
0x6e: {  	_ =	swait.ge @!p0 [sflag:s0], s1  }
0x6f: {  	s1 =	ssub.s32 @!p0 $0x0, s1;
	[sflag:s0] =	ssyncset.done @!p0 $0x0  }
0x70: {  	[sflag:s0] =	ssyncadd.s32 @!p0 s1  }
0x71: {  	[bflag:$0x3] =	sbarrier.arrive $0xFFFF  }
0x72: {  	_ =	shalt  }

// kernel: gather_offload_async_start
scs
__scs_entry_jumppad:
0x0: {  	(pc) =	sbr.rel $0x88, $3  }
0x1: {  	(tag) =	ssettag $0x0;
	lr =	simm.s32 $0x1  }
0x2: {  	[smem:$0x3F9A] =	sst lr;
	_ =	strace $0xD0000000  }
0x3: {  	_ = 	snop  }
0x4: {  	_ = 	snop  }
0x5: {  	_ = 	snop  }
0x6: {  	_ = 	snop  }
0x7: {  	_ = 	snop  }
__scs_overlays_trampoline_lowered:
0x8: {  	[smem:$0x3FA9] =	sst s0  }
0x9: {  	[smem:$0x3FAA] =	sst s1  }
0xa: {  	[smem:$0x3FAB] =	sst s2  }
0xb: {  	[smem:$0x3FAC] =	sst s3  }
0xc: {  	[smem:$0x3FAD] =	sst s4  }
0xd: {  	[smem:$0x3FAE] =	sst s5  }
0xe: {  	[smem:$0x3FAF] =	sst s6  }
0xf: {  	[smem:$0x3FB0] =	sst s7  }
0x10: {  	[smem:$0x3FB1] =	sst s8  }
0x11: {  	[smem:$0x3FB2] =	sst s9;
	s0 =	simm.s32 @!p0 $0x0  }
0x12: {  	s1 =	sld [smem:$0x3F98];
	s0 =	simm.s32 @p0 $0x1  }
0x13: {  	[smem:$0x3FB3] =	sst s0;
	s0 =	simm.s32 @!p1 $0x0  }
0x14: {  	s2 =	sld [smem:$0x3F97];
	s0 =	simm.s32 @p1 $0x1  }
0x15: {  	[smem:$0x3FB4] =	sst s0;
	s0 =	simm.s32 @!p2 $0x0  }
0x16: {  	s3 =	sld [smem:$0x3FDB];
	s0 =	simm.s32 @p2 $0x1  }
0x17: {  	s4 =	simm.s32 $0x1BF5;
	[smem:$0x3FB6] =	sst s0  }
0x18: {  	s0 =	sld [smem:$0x3F99];
	_ =	swait.ge [sflag:s4], $0x0  }
0x19: {  	s7 =	sld [smem:$0x3F9A]  }
0x1a: {  	s8 =	sadd.s32 $0xFFFFE003, lr  }
0x1b: {  	s9 =	sadd.s32 $0xFFFFFEF7, lr;
	s5 =	simm.s32 $0xFFFFFFFF;
	p2 =	slt.u32 s8, $0xFFFFF086  }
0x1c: {  	p1 =	slt.u32 s9, $0xF7A;
	s5 =	simm.s32 @!p2 $0x0  }
0x1d: {  	s5 =	simm.s32 @p1 $0x1;
	p0 =	seq.s32 s7, s2  }
0x1e: {  	s7 =	smul.u32 @!p0 $0xF7A, s2;
	p2 =	seq.s32 @!p0 s5, $0x0  }
0x1f: {  	s9 =	smul.u32 $0xF7A, s1;
	s8 =	simm.s32 @!p0 $0x1BF5;
	p2 =	por !p2, p0  }
0x20: {  	[sflag:s8] =	ssyncset.s32 @!p0 $0xFFFFF086;
	s6 =	sadd.s32 @!p0 s3, s7;
	s7 =	simm.s32 @!p0 $0x108  }
0x21: {  	s3 =	sadd.s32 s3, s9;
	s6 =	sadd.s32 @!p0 $0x88, s6;
	s7 =	simm.s32 @p2 $0x1082  }
0x22: {  	[simem:s7], [sflag:s8] =	dma.local @!p0 [hbm:s6], $0xF7A  }
0x23: {  	s9 =	sor.u32 $0xD0000000, s2;
	s6 =	simm.s32 $0x108;
	_ =	swait.ge @!p0 [sflag:s8], $0x0  }
0x24: {  	s3 =	sadd.s32 $0x88, s3;
	s6 =	simm.s32 @!p1 $0x1082;
	[sflag:s4] =	ssyncset.s32 $0xFFFFF086  }
0x25: {  	[simem:s6], [sflag:s4] =	dma.local [hbm:s3], $0xF7A  }
0x26: {  	[smem:$0x3F9A] =	sst s1;
	(tag) =	ssettag s2;
	_ =	strace s9  }
0x27: {  	s1 =	sld [smem:$0x3FAA]  }
0x28: {  	s2 =	sld [smem:$0x3FAB]  }
0x29: {  	s4 =	sld [smem:$0x3FAD]  }
0x2a: {  	p0 =	seq.s32 s5, $0x0;
	s5 =	sld [smem:$0x3FAE]  }
0x2b: {  	s6 =	sld [smem:$0x3FAF]  }
0x2c: {  	s7 =	sld [smem:$0x3FB0]  }
0x2d: {  	s3 =	simm.s32 $0x108;
	s8 =	sld [smem:$0x3FB1]  }
0x2e: {  	s3 =	simm.s32 @!p0 $0x1082;
	s9 =	sld [smem:$0x3FB2]  }
0x2f: {  	lr =	sadd.s32 s0, s3;
	s0 =	sld [smem:$0x3FA9]  }
0x30: {  	s3 =	sld [smem:$0x3FAC]  }
0x31: {  	[smem:$0x3FB5] =	sst s10  }
0x32: {  	s10 =	sld [smem:$0x3FB3];
	_ =	sdelay $0x3  }
0x33: {  	p0 =	seq.s32 s10, $0x1;
	s10 =	sld [smem:$0x3FB5];
	_ =	sdelay $0x3  }
0x34: {  	[smem:$0x3FB5] =	sst s10  }
0x35: {  	s10 =	sld [smem:$0x3FB4];
	_ =	sdelay $0x3  }
0x36: {  	p1 =	seq.s32 s10, $0x1;
	s10 =	sld [smem:$0x3FB5];
	_ =	sdelay $0x3  }
0x37: {  	[smem:$0x3FB5] =	sst s10  }
0x38: {  	s10 =	sld [smem:$0x3FB6]  }
0x39: {  	_ = 	snop;
	(pc) =	sbr.ind lr, $3  }
0x3a: {  	_ = 	snop  }
0x3b: {  	_ = 	snop  }
0x3c: {  	p2 =	seq.s32 s10, $0x1;
	s10 =	sld [smem:$0x3FB5]  }
0x3d: {  	_ =	shalt  }
0x3e: {  	_ =	shalt  }
0x3f: {  	_ =	shalt  }
0x40: {  	_ =	shalt  }
0x41: {  	_ =	shalt  }
0x42: {  	_ =	shalt  }
0x43: {  	_ =	shalt  }
0x44: {  	_ =	shalt  }
0x45: {  	_ =	shalt  }
0x46: {  	_ =	shalt  }
0x47: {  	_ =	shalt  }
0x48: {  	_ =	shalt  }
0x49: {  	_ =	shalt  }
0x4a: {  	_ =	shalt  }
0x4b: {  	_ =	shalt  }
0x4c: {  	_ =	shalt  }
0x4d: {  	_ =	shalt  }
0x4e: {  	_ =	shalt  }
0x4f: {  	_ =	shalt  }
0x50: {  	_ =	shalt  }
0x51: {  	_ =	shalt  }
0x52: {  	_ =	shalt  }
0x53: {  	_ =	shalt  }
0x54: {  	_ =	shalt  }
0x55: {  	_ =	shalt  }
0x56: {  	_ =	shalt  }
0x57: {  	_ =	shalt  }
0x58: {  	_ =	shalt  }
0x59: {  	_ =	shalt  }
0x5a: {  	_ =	shalt  }
0x5b: {  	_ =	shalt  }
0x5c: {  	_ =	shalt  }
0x5d: {  	_ =	shalt  }
0x5e: {  	_ =	shalt  }
0x5f: {  	_ =	shalt  }
0x60: {  	_ =	shalt  }
0x61: {  	_ =	shalt  }
0x62: {  	_ =	shalt  }
0x63: {  	_ =	shalt  }
0x64: {  	_ =	shalt  }
0x65: {  	_ =	shalt  }
0x66: {  	_ =	shalt  }
0x67: {  	_ =	shalt  }
0x68: {  	_ =	shalt  }
0x69: {  	_ =	shalt  }
0x6a: {  	_ =	shalt  }
0x6b: {  	_ =	shalt  }
0x6c: {  	_ =	shalt  }
0x6d: {  	_ =	shalt  }
0x6e: {  	_ =	shalt  }
0x6f: {  	_ =	shalt  }
0x70: {  	_ =	shalt  }
0x71: {  	_ =	shalt  }
0x72: {  	_ =	shalt  }
0x73: {  	_ =	shalt  }
0x74: {  	_ =	shalt  }
0x75: {  	_ =	shalt  }
0x76: {  	_ =	shalt  }
0x77: {  	_ =	shalt  }
0x78: {  	_ =	shalt  }
0x79: {  	_ =	shalt  }
0x7a: {  	_ =	shalt  }
0x7b: {  	_ =	shalt  }
0x7c: {  	_ =	shalt  }
0x7d: {  	_ =	shalt  }
0x7e: {  	_ =	shalt  }
0x7f: {  	_ =	shalt  }
0x80: {  	_ =	shalt  }
0x81: {  	_ =	shalt  }
0x82: {  	_ =	shalt  }
0x83: {  	_ =	shalt  }
0x84: {  	_ =	shalt  }
0x85: {  	_ =	shalt  }
0x86: {  	_ =	shalt  }
0x87: {  	_ =	shalt  }
.Lfunc_end0:
.L_simem_size_0:
called_computation_lowered:
.L_overlay_start_0:
0x88: {  	s0 =	sld [smem:$0x3FD9]  }
0x89: {  	s1 =	sld [smem:$0x3FFE];
	_ =	sdelay $0x3  }
0x8a: {  	s0 =	sadd.s32 s1, s0  }
0x8b: {  	[smem:$0x3FC1] =	sst s0  }
0x8c: {  	_ = 	snop  }
0x8d: {  	s0 =	sld [smem:$0x3FD0];
	(tm) =	ssettm $0x1  }
0x8e: {  	s16 =	sld [smem:$0x3FFB];
	_ =	sdelay $0x3  }
0x8f: {  	_ =	strace s16  }
0x90: {  	s1 =	sld [smem:$0x3FFC];
	_ =	sdelay $0x3  }
0x91: {  	_ =	strace s1  }
0x92: {  	s1 =	sld [smem:$0x3FFD];
	_ =	sdelay $0x3  }
0x93: {  	_ =	strace s1  }
0x94: {  	_ =	strace $0x8FFFFFFF  }
0x95: {  	s17 =	sld [smem:$0x3FDB];
	_ =	sdelay $0x1  }
0x96: {  	s2 =	simm.s32 $_scs_section_size  }
0x97: {  	s3 =	simm.s32 $_size__tile_overlayer_lowered;
	s4 =	simm.s32 $_tile_overlayer_lowered  }
0x98: {  	s20 =	simm.s32 $0x1BFF;
	s19 =	sshll.u32 s4, $0x1;
	s1 =	sadd.s32 s2, s17  }
0x99: {  	s5 =	simm.s32 $0x0;
	s18 =	sshll.u32 s3, $0x1;
	s3 =	sadd.s32 s19, s1  }
0x9a: {  	[timem:s5], [sflag:s20] =	dma.local [hbm:s3], s18  }
0x9b: {  	_ =	swait.ge [sflag:s20], s18  }
0x9c: {  	s2 =	ssub.s32 $0x0, s18;
	[sflag:s20] =	ssyncset.done $0x0  }
0x9d: {  	[sflag:s20] =	ssyncadd.s32 s2;
	_ =	sdelay $0x1  }
0x9e: {  	s21 =	simm.s32 $0x1B8B  }
0x9f: {  	_ =	swait.ge [sflag:s21], $0x1  }
0xa0: {  	[sflag:s21] =	ssyncset.done $0x0  }
0xa1: {  	s23 =	simm.s32 $0x1B8E;
	s22 =	sld [smem:$0x3FFE];
	[sflag:s21] =	ssyncadd.s32 $0xFFFFFFFF  }
0xa2: {  	s24 =	simm.s32 $execute0_lowered;
	[smem:$0x3FD2] =	sst s23  }
0xa3: {  	s3 =	sshll.u32 s24, $0x1;
	_ =	strace $0x80000046;
	[dreg:$0x1] =	wrdreg $0xFFFFFFFF  }
0xa4: {  	s25 =	simm.s32 $_size_execute0_lowered;
	s1 =	sadd.s32 s1, s3;
	[dreg:$0x0] =	wrdreg $0x0  }
0xa5: {  	s3 =	sshll.u32 s25, $0x1;
	[dreg:$0x2] =	wrdreg s1  }
0xa6: {  	[dreg:$0x3] =	wrdreg s3  }
0xa7: {  	[dreg:$0x4] =	wrdreg $0xC0  }
0xa8: {  	_ =	task [dreg:s5], $0x5FFFF  }
0xa9: {  	[dreg:$0x1] =	wrdreg $0xFFFFFFFF  }
0xaa: {  	[dreg:$0x0] =	wrdreg $0x60  }
0xab: {  	[dreg:$0x2] =	wrdreg s22  }
0xac: {  	[dreg:$0x3] =	wrdreg s0  }
0xad: {  	[dreg:$0x4] =	wrdreg $0x9  }
0xae: {  	_ =	task.clear_ibuf [dreg:s5], $0x5FFFF;
	_ =	strace $0x90000046  }
0xaf: {  	s26 =	simm.s32 $0x9;
	_ =	strace $0x80000048  }
0xb0: {  	_ =	swait.ge [sflag:s26], $0x1  }
0xb1: {  	[sflag:s26] =	ssyncadd.s32 $0xFFFFFFFF  }
0xb2: {  	_ =	strace $0x90000048  }
0xb3: {  	_ =	sfence  }
0xb4: {  	s28 =	sld [smem:$0x0];
	_ =	sdelay $0x1  }
0xb5: {  	s29 =	srdreg.scid  }
0xb6: {  	s30 =	sshll.u32 s29, $0xD;
	s31 =	sshrl.u32 s29, $0x2  }
0xb7: {  	s2 =	sand.u32 $0x4000, s30;
	s1 =	sand.u32 $0x1, s29;
	s0 =	sadd.s32 s31, s28  }
0xb8: {  	s1 =	sor.u32 s2, s1;
	s0 =	sshll.u32 s0, $0x11  }
0xb9: {  	s0 =	sor.u32 s0, s1  }
0xba: {  	s0 =	sadd.s32 $0x8F2B, s0  }
0xbb: {  	[sflag:s0] =	ssyncadd.remote.s32 $0x1  }
0xbc: {  	_ =	sfence.sel $0xFFFF  }
0xbd: {  	[dreg:$0x0] =	wrdreg $0xFFFFFFFF;
	(pc) =	sbr.abs _section_cstart, $3  }
0xbe: {  	[dreg:$0x1] =	wrdreg $0xFFFFFFFF  }
0xbf: {  	_ =	task.clear_ibuf [dreg:s5], $0x2FFFF;
	_ =	strace $0x9FFFFFFF  }
0xc0: {  	(tm) =	ssettm $0x7FFFFFFF  }
0xc1: {  	_ =	shalt  }
tec
execute0_lowered:
.L_overlay_start_1:
0x0: {  	(tag) =	ssettag $0x1  }
0x1: {  	s0 =	stileid.u32  }
0x2: {  	s1 =	smin.u32 s0, $0xE  }
0x3: {  	s1 =	sadd.s32 s0, s1  }
0x4: {  	s2 =	simm.s32 $0x190;
	p0 =	slt.u32 s0, $0xE;
	s1 =	smul.u32 $0xC8, s1  }
0x5: {  	s2 =	simm.s32 @!p0 $0xC8  }
0x6: {  	s2 =	sadd.s32 s2, s1  }
0x7: {  	s3 =	smin.u32 s2, $0x1770  }
0x8: {  	s7 =	ssub.s32 s3, s1  }
0x9: {  	p0 =	sgt.s32 s7, $0x0  }
0xa: {  	s7 =	simm.s32 @!p0 $0x0  }
0xb: {  	s31 =	sand.u32 $0xFFF8, s7  }
0xc: {  	s2 =	sshrl.u32 s31, $0x3  }
0xd: {  	s4 =	rddreg [dreg:$0x0];
	s2 =	smul.u32 $0x147B, s2  }
0xe: {  	s5 =	rddreg [dreg:$0x1]  }
0xf: {  	s6 =	simm.s32 $0x1;
	s10 =	simm.s32 $0x3;
	s8 =	sshrl.u32 s2, $0x11  }
0x10: {  	s13 =	simm.s32 $0x0;
	s12 =	simm.s32 $0x0;
	s9 =	smul.u32 $0xC8, s8  }
.Ltmp0:
0x11: {  	s11 =	smov.u32 s1;
	s2 =	rddreg [dreg:$0x2];
	(pc) =	sbr.rel .LBB2_1-.Ltmp0, $4  }
0x12: {  	_ =	strace $0x80000047;
	p0 =	sne.s32 s7, s9;
	s9 =	simm.s32 $0x1  }
0x13: {  	[sflag:s6] =	ssyncpa.u1 $0x0;
	s7 =	simm.s32 $0x2;
	s9 =	simm.s32 @!p0 $0x0  }
0x14: {  	[sflag:s7] =	ssyncpa.u1 $0x0;
	p0 =	por $0x0, $0x0;
	s8 =	sadd.s32 s8, s9  }
0x15: {  	vm0 =	vmmov $0xff;
	vm1 =	vcmask $0x3F20;
	s9 =	sadd.s32 $0x76C00, s4;
	[sflag:s10] =	ssyncpa.u1 $0x0;
	s10 =	sadd.s32 $0x1, s8  }
.LBB2_6:
0x16: {  	[hbm:s17] =	stream.linear.scatter [tilespmem:s14], [sflag:$0x3], $0x400, $0x38;
	[tilespmem:$0xC990] =	vst v63  }
.LBB2_7:
0x17: {  	s13 =	sadd.s32 $0xC8, s11  }
0x18: {  	s15 =	smov.u32 s1;
	p2 =	slt.s32 s13, s3  }
0x19: {  	s15 =	smov.u32 @p2 s13;
	p2 =	sne.s32 s12, s10  }
.Ltmp1:
0x1a: {  	p1 =	slt.u32 s12, $0x2;
	(pc) =	sbr.rel @!p2 .LBB2_8-.Ltmp1, $4  }
0x1b: {  	s14 =	simm.s32 @!p1 $0x3  }
0x1c: {  	s16 =	sadd.s32 $0x1, s12;
	_ =	swait.ge @!p1 [sflag:s14], $0x6400  }
0x1d: {  	p0 =	por !p0, !p0;
	s13 =	smov.u32 s11;
	[sflag:s14] =	ssyncset.done @!p1 $0x0  }
0x1e: {  	s12 =	smov.u32 s16;
	s11 =	smov.u32 s15;
	[sflag:s14] =	ssyncadd.s32 @!p1 $0xFFFF9C00  }
.LBB2_1:
0x1f: {  	p1 =	sge.u32 s12, s8  }
0x20: {  	s14 =	sxor.u32 @!p1 $0xFFFFFFFF, s12  }
0x21: {  	s14 =	sand.u32 @!p1 $0x1, s14  }
0x22: {  	s14 =	smul.u32 @!p1 $0x320, s14  }
0x23: {  	s31 =	sadd.s32 $0xFFFFFFFF, s12;
	s15 =	sshrl.u32 @!p1 s11, $0x3  }
0x24: {  	s16 =	sand.u32 @!p1 $0x7, s11;
	s15 =	sadd.s32 @!p1 s5, s15;
	s14 =	sshrl.u32 @!p1 s14, $0x2  }
0x25: {  	[tilespmem:s14], [sflag:$0x2] =	stream.linear.gather @!p1 [hbm4b:s15+s16], $0xC8, $0x38;
	[tilespmem:$0xC990] =	vst v63  }
0x26: {  	p1 =	sge.u32 s31, s8  }
.Ltmp2:
0x27: {  	_ = 	snop;
	(pc) =	sbr.rel @p1 .LBB2_7-.Ltmp2, $1  }
0x28: {  	_ =	sdelay $0x3  }
0x29: {  	s14 =	simm.s32 $0x1  }
0x2a: {  	s14 =	simm.s32 @!p0 $0x0  }
0x2b: {  	s15 =	smul.u32 $0x320, s14  }
0x2c: {  	_ =	swait.ge [sflag:s7], $0xC8  }
0x2d: {  	[sflag:s7] =	ssyncset.done $0x0;
	s16 =	sshrl.u32 s15, $0x2  }
0x2e: {  	[sflag:s7] =	ssyncadd.s32 $0xFFFFFF38;
	s15 =	sadd.s32 $0x0, s16  }
0x2f: {  	v0 =	vld.msk [tilespmem:s15+$0x0 ss:$0x1], $0xffff;
	_ =	sdelay $0x4  }
0x30: {  	vm2 =	vgt.s32 v0, $0x0  }
0x31: {  	v0 =	vnsel vm2, $0x0, v0  }
0x32: {  	v0 =	vmin.u32 v0, $0x3B5F  }
0x33: {  	v0 =	vshll.u32 v0, $0x4  }
0x34: {  	s14 =	smul.u32 $0x19000, s14  }
0x35: {  	s31 =	sand.u32 $0x1, s12  }
0x36: {  	s17 =	smul.u32 $0x320, s31;
	s14 =	sshrl.u32 s14, $0x2  }
0x37: {  	s19 =	smul.u32 $0x19000, s31;
	s14 =	sor.u32 $0x190, s14  }
0x38: {  	[tilespmem:s14], [sflag:$0x1] =	stream.indirect_vreg.gather [hbm:s4], $0x80, v0, vm0, $0x38;
	[tilespmem:$0xC990] =	vst v63  }
0x39: {  	s18 =	sshrl.u32 s17, $0x2;
	s20 =	sadd.s32 $0x10, s16;
	s15 =	sadd.s32 $0x400, s14  }
0x3a: {  	[tilespmem:s15], [sflag:$0x1] =	stream.indirect_vreg.gather [hbm:s4], $0x80, v0, vm1, $0x38;
	[tilespmem:$0xC990] =	vst v63  }
0x3b: {  	s17 =	sshrl.u32 s19, $0x2;
	s19 =	smov.u32 s14;
	v0 =	vld.msk [tilespmem:s20+$0x0 ss:$0x1], $0xffff;
	s20 =	simm.s32 $0x80  }
.LBB2_3:
0x3c: {  	p1 =	sne.s32 s20, $0x2C0;
	_ =	sdelay $0x4  }
0x3d: {  	vm2 =	vgt.s32 v0, $0x0  }
0x3e: {  	v0 =	vnsel vm2, $0x0, v0  }
0x3f: {  	v0 =	vmin.u32 v0, $0x3B5F  }
0x40: {  	v0 =	vshll.u32 v0, $0x4;
	_ =	sdelay $0x3  }
.Ltmp3:
0x41: {  	s21 =	sshra.s32 s20, $0x2;
	s19 =	sadd.s32 $0x800, s19;
	(pc) =	sbr.rel @p1 .LBB2_3-.Ltmp3, $4  }
0x42: {  	[tilespmem:s19], [sflag:$0x1] =	stream.indirect_vreg.gather [hbm:s4], $0x80, v0, vm0, $0x38;
	[tilespmem:$0xC990] =	vst v63  }
0x43: {  	s21 =	sadd.s32 s21, s16;
	s22 =	sadd.s32 $0x400, s19  }
0x44: {  	[tilespmem:s22], [sflag:$0x1] =	stream.indirect_vreg.gather [hbm:s4], $0x80, v0, vm1, $0x38;
	[tilespmem:$0xC990] =	vst v63  }
0x45: {  	s20 =	sadd.s32 $0x40, s20;
	v0 =	vld.msk [tilespmem:s21+$0x0 ss:$0x1], $0xffff  }
0x46: {  	_ =	sdelay $0x3  }
0x47: {  	vm2 =	vgt.s32 v0, $0x0  }
0x48: {  	v0 =	vnsel vm2, $0x0, v0  }
0x49: {  	v0 =	vmin.u32 v0, $0x3B5F  }
0x4a: {  	v0 =	vshll.u32 v0, $0x4;
	_ =	sdelay $0x3  }
0x4b: {  	s16 =	sadd.s32 $0x800, s19  }
0x4c: {  	[tilespmem:s16], [sflag:$0x1] =	stream.indirect_vreg.gather [hbm:s4], $0x80, v0, vm0, $0x38;
	[tilespmem:$0xC990] =	vst v63  }
0x4d: {  	s16 =	sadd.s32 $0x400, s16  }
0x4e: {  	[tilespmem:s16], [sflag:$0x1] =	stream.indirect_vreg.gather [hbm:s4], $0x80, v0, vm1, $0x38;
	[tilespmem:$0xC990] =	vst v63  }
0x4f: {  	v0 =	vld.msk [tilespmem:s18+$0xC0 ss:$0x1], $0xff;
	_ =	sdelay $0x4  }
0x50: {  	vm2 =	vgt.s32 v0, $0x0  }
0x51: {  	v0 =	vnsel vm2, $0x0, v0  }
0x52: {  	v0 =	vmin.u32 v0, $0x3B5F  }
0x53: {  	v0 =	vshll.u32 v0, $0x4;
	_ =	sdelay $0x3  }
0x54: {  	s31 =	sadd.s32 $0x6190, s17  }
0x55: {  	[tilespmem:s31], [sflag:$0x1] =	stream.indirect_vreg.gather [hbm:s4], $0x80, v0, vm0, $0x38;
	[tilespmem:$0xC990] =	vst v63  }
0x56: {  	s13 =	sshll.u32 s13, $0x4;
	_ =	swait.ge [sflag:s6], $0x6400  }
0x57: {  	s13 =	sadd.s32 s13, s9;
	[sflag:s6] =	ssyncset.done $0x0  }
0x58: {  	s17 =	sadd.s32 $0x0, s13;
	s16 =	simm.s32 $0x80;
	[sflag:s6] =	ssyncadd.s32 $0xFFFF9C00  }
.LBB2_5:
0x59: {  	[hbm:s17] =	stream.linear.scatter [tilespmem:s14], [sflag:$0x3], $0x400, $0x38;
	[tilespmem:$0xC990] =	vst v63  }
0x5a: {  	s17 =	smov.u32 s16;
	s14 =	smov.u32 s15;
	p1 =	sne.s32 s16, $0xC00  }
.Ltmp4:
0x5b: {  	s16 =	sadd.s32 $0x80, s16;
	(pc) =	sbr.rel @p1 .LBB2_5-.Ltmp4, $2  }
0x5c: {  	_ =	sdelay $0x2  }
0x5d: {  	s15 =	sadd.s32 $0x400, s15;
	s17 =	sadd.s32 s17, s13  }
.Ltmp5:
0x5e: {  	_ = 	snop;
	(pc) =	sbr.rel .LBB2_6-.Ltmp5, $1  }
0x5f: {  	_ =	sdelay $0x3  }
.LBB2_8:
0x60: {  	_ =	sfence.sel $0x180000  }
0x61: {  	s1 =	simm.s32 $0x2;
	[bflag:$0x0] =	sbarrier.arrive $0xFFFF  }
0x62: {  	s30 =	simm.s32 $0x3;
	[sflag:s1] =	ssyncpa.u1 $0x1  }
0x63: {  	s31 =	simm.s32 $0x1;
	[sflag:s30] =	ssyncpa.u1 $0x1  }
0x64: {  	[sflag:s31] =	ssyncpa.u1 $0x1  }
0x65: {  	p0 =	sne.s32 s0, $0x0;
	_ =	strace $0x90000047  }
0x66: {  	s0 =	sadd.s32 @!p0 $0x100000, s2;
	[bflag:$0x2] =	sbarrier.arrive $0xFFFF  }
0x67: {  	[sflag:s0] =	ssyncadd.tile.s32 @!p0 $0x1;
	_ =	shalt  }
.Lfunc_end2:
_tile_overlayer_lowered:
.L_overlay_start_2:
0x68: {  	(tag) =	ssettag $0x2  }
0x69: {  	s0 =	rddreg [dreg:$0x0];
	s2 =	stileid.u32  }
0x6a: {  	s1 =	rddreg [dreg:$0x1];
	p0 =	sne.s32 s2, $0x0  }
0x6b: {  	s3 =	rddreg [dreg:$0x2];
	[bflag:$0x3] =	sbarrier.arrive $0xFFFF;
	s2 =	simm.s32 @!p0 $0x1C01  }
0x6c: {  	[timem:s3], [sflag:s2] =	dma.local @!p0 [hbm:s0], s1  }
0x6d: {  	s0 =	simm.s32 @!p0 $0x1  }
0x6e: {  	_ =	swait.ge @!p0 [sflag:s0], s1  }
0x6f: {  	s1 =	ssub.s32 @!p0 $0x0, s1;
	[sflag:s0] =	ssyncset.done @!p0 $0x0  }
0x70: {  	[sflag:s0] =	ssyncadd.s32 @!p0 s1  }
0x71: {  	[bflag:$0x3] =	sbarrier.arrive $0xFFFF  }
0x72: {  	_ =	shalt  }

</sc_bundles>
